<compile_context>
chip_gen: v7x
topology: tpu7x:2x2x1
jax: 0.10.2.dev20260603
libtpu: 0.0.44.dev20260713+nightly
codegen_flags: <defaults>
</compile_context>

<pallas_src>
import jax
import jax.numpy as jnp
from jax import lax
from jax.experimental import pallas as pl
from jax.experimental.pallas import tpu as pltpu
from jax.experimental.pallas import tpu_sc as plsc

D = 128
DW = 16
CH = 128
NC = 2
NS = 16
NW = NC * NS
L = 16
GW = 20

_SC_PARAMS = pltpu.CompilerParams(
    use_tc_tiling_on_sc=False, needs_layout_passes=False)


def _msg_body(nf, w1, b1, w2, b2, out):
    h = jnp.maximum(jnp.dot(nf[...], w1[...], preferred_element_type=jnp.float32) + b1[...], 0.0)
    out[...] = jnp.dot(h, w2[...], preferred_element_type=jnp.float32) + b2[...]


def _sc_deg_body(nchunk, idxr, zr, degout, dst_v, w_v, deg_src, deg_sh, sem):
    cid = lax.axis_index("c")
    sid = lax.axis_index("s")
    wid = cid * NS + sid
    n_pad = deg_sh.shape[0]
    rpt = n_pad // NS

    pltpu.sync_copy(idxr.at[1, wid], dst_v)
    pltpu.sync_copy(idxr.at[2, wid], w_v)
    pltpu.sync_copy(zr.at[pl.ds(sid * rpt, rpt)], deg_sh.at[pl.ds(sid * rpt, rpt)])

    def zrow(i, c):
        deg_src[i, pl.ds(0, L)] = jnp.zeros((L,), jnp.float32)
        return c
    lax.fori_loop(0, CH, zrow, 0)
    plsc.subcore_barrier()

    col0 = jnp.zeros((L,), jnp.int32)
    iota = lax.broadcasted_iota(jnp.int32, (L,), 0)

    def chunk(j, carry):
        for g in range(CH // L):
            w16 = plsc.bitcast(w_v[j, pl.ds(g * L, L)], jnp.float32)
            plsc.store_scatter(deg_src, [g * L + iota, col0], w16)
        pltpu.sync_copy(deg_src, deg_sh.at[dst_v.at[j]], add=True)
        return carry

    lax.fori_loop(0, nchunk, chunk, 0)
    plsc.subcore_barrier()
    pltpu.sync_copy(deg_sh.at[pl.ds(sid * rpt, rpt)],
                    degout.at[cid, pl.ds(sid * rpt, rpt)])


def _sc_agg_body(nchunk, msgs, idxr, zr, aggout,
                 src_v, dst_v, w_v, rows_v, agg_sh, sem_g):
    cid = lax.axis_index("c")
    sid = lax.axis_index("s")
    wid = cid * NS + sid
    n_pad = agg_sh.shape[0]
    rpt = n_pad // NS

    pltpu.sync_copy(zr.at[pl.ds(sid * rpt, rpt)], agg_sh.at[pl.ds(sid * rpt, rpt)])
    plsc.subcore_barrier()

    pltpu.sync_copy(idxr.at[0, wid], src_v)
    pltpu.sync_copy(idxr.at[1, wid], dst_v)
    pltpu.sync_copy(idxr.at[2, wid], w_v)

    def chunk(j, c0):
        pltpu.async_copy(msgs.at[src_v.at[j]], rows_v, sem_g).wait()
        jv = jnp.full((L,), j, jnp.int32)

        def row4(i4, c2):
            for r in range(4):
                i = i4 * 4 + r
                ws = plsc.bitcast(plsc.load_gather(
                    w_v, [jv, jnp.full((L,), i, jnp.int32)]), jnp.float32)
                for c in range(D // L):
                    rows_v[i, pl.ds(c * L, L)] = rows_v[i, pl.ds(c * L, L)] * ws
            return c2

        lax.fori_loop(0, CH // 4, row4, 0)
        pltpu.sync_copy(rows_v, agg_sh.at[dst_v.at[j]], add=True)
        return c0

    lax.fori_loop(0, nchunk, chunk, 0)
    plsc.subcore_barrier()
    pltpu.sync_copy(agg_sh.at[pl.ds(sid * rpt, rpt)],
                    aggout.at[cid, pl.ds(sid * rpt, rpt)])


def _final_body(aggp, degp, nf, wga, wgn, bg, wua, wun, bu1, wu2, bu2, gamma, beta, out):
    p = aggp[...]
    dp = degp[...]
    deg = jnp.maximum((dp[0] + dp[1])[:, 0:1], 1.0)
    agg = (p[0] + p[1]) / deg
    x = nf[...]
    gate = jax.nn.sigmoid(
        jnp.dot(agg, wga[...], preferred_element_type=jnp.float32)
        + jnp.dot(x, wgn[...], preferred_element_type=jnp.float32) + bg[...])
    u = jnp.maximum(
        jnp.dot(agg, wua[...], preferred_element_type=jnp.float32)
        + jnp.dot(x, wun[...], preferred_element_type=jnp.float32) + bu1[...], 0.0)
    upd = jnp.dot(u, wu2[...], preferred_element_type=jnp.float32) + bu2[...]
    o = gate * upd + (1.0 - gate) * x
    mean = jnp.mean(o, axis=-1, keepdims=True)
    var = jnp.mean((o - mean) ** 2, axis=-1, keepdims=True)
    out[...] = (o - mean) / jnp.sqrt(var + 1e-3) * gamma[...] + beta[...]


def kernel(node_feats, neighbor_feats, edge_indices, edge_weights,
           W1, b1, W2, b2, Wg, bg, Wu1, bu1, Wu2, bu2, gamma, beta):
    n = node_feats.shape[0]
    e = edge_indices.shape[1]
    bn = 1000
    grid = (n // bn,)

    full = lambda i: (0, 0)
    row_spec = pl.BlockSpec((bn, D), lambda i: (i, 0))
    w_spec = pl.BlockSpec((D, D), full)
    b_spec = pl.BlockSpec((1, D), full)

    msgs = pl.pallas_call(
        _msg_body,
        grid=grid,
        in_specs=[row_spec, w_spec, b_spec, w_spec, b_spec],
        out_specs=row_spec,
        out_shape=jax.ShapeDtypeStruct((n, D), jnp.float32),
    )(neighbor_feats, W1, b1.reshape(1, D), W2, b2.reshape(1, D))

    epw = -(-e // (NW * CH)) * CH
    ep = epw * NW
    pad = ep - e
    src = jnp.concatenate([edge_indices[0], jnp.zeros((pad,), jnp.int32)])
    dst = jnp.concatenate([edge_indices[1], jnp.zeros((pad,), jnp.int32)])
    w = jnp.concatenate([edge_weights[:, 0], jnp.zeros((pad,), jnp.float32)])
    nchunk = epw // CH
    idx3 = jnp.stack([
        src.reshape(NW, nchunk, CH),
        dst.reshape(NW, nchunk, CH),
        lax.bitcast_convert_type(w, jnp.int32).reshape(NW, nchunk, CH),
    ])
    n_pad = -(-n // (NS * 8)) * (NS * 8)

    deg_partial = pl.kernel(
        lambda *refs: _sc_deg_body(nchunk, *refs),
        out_type=jax.ShapeDtypeStruct((NC, n_pad, DW), jnp.float32),
        mesh=plsc.VectorSubcoreMesh(
            core_axis_name="c", subcore_axis_name="s",
            num_cores=NC, num_subcores=NS),
        scratch_types=[
            pltpu.VMEM((nchunk, CH), jnp.int32),
            pltpu.VMEM((nchunk, CH), jnp.int32),
            pltpu.VMEM((CH, DW), jnp.float32),
            pltpu.VMEM_SHARED((n_pad, DW), jnp.float32),
            pltpu.SemaphoreType.DMA,
        ],
        compiler_params=_SC_PARAMS,
    )(idx3, jnp.zeros((n_pad, DW), jnp.float32))

    agg_partial = pl.kernel(
        lambda *refs: _sc_agg_body(nchunk, *refs),
        out_type=jax.ShapeDtypeStruct((NC, n_pad, D), jnp.float32),
        mesh=plsc.VectorSubcoreMesh(
            core_axis_name="c", subcore_axis_name="s",
            num_cores=NC, num_subcores=NS),
        scratch_types=[
            pltpu.VMEM((nchunk, CH), jnp.int32),
            pltpu.VMEM((nchunk, CH), jnp.int32),
            pltpu.VMEM((nchunk, CH), jnp.int32),
            pltpu.VMEM((CH, D), jnp.float32),
            pltpu.VMEM_SHARED((n_pad, D), jnp.float32),
            pltpu.SemaphoreType.DMA,
        ],
        compiler_params=_SC_PARAMS,
    )(msgs, idx3, jnp.zeros((n_pad, D), jnp.float32))

    out = pl.pallas_call(
        _final_body,
        grid=grid,
        in_specs=[pl.BlockSpec((NC, bn, D), lambda i: (0, i, 0)),
                  pl.BlockSpec((NC, bn, DW), lambda i: (0, i, 0)),
                  row_spec, w_spec, w_spec, b_spec,
                  w_spec, w_spec, b_spec, w_spec, b_spec, b_spec, b_spec],
        out_specs=row_spec,
        out_shape=jax.ShapeDtypeStruct((n, D), jnp.float32),
    )(agg_partial, deg_partial, node_feats, Wg[:D], Wg[D:], bg.reshape(1, D),
      Wu1[:D], Wu1[D:], bu1.reshape(1, D), Wu2, bu2.reshape(1, D),
      gamma.reshape(1, D), beta.reshape(1, D))
    return out

# --- scband reference (transcript-rebuilt; emitter-appended) ---
"""Pipeline reference for scband-message-passing-layer-25400436589080 (READ-ONLY COPY).

The authoritative reference and input builder live on the scoring server;
editing this copy changes nothing except your own understanding.
"""

import jax, jax.numpy as jnp
import numpy as np

N = 10000
E = 320000
D = 128

def setup_inputs(seed: int = 0) -> dict:
    key = jax.random.key(seed)
    ks = jax.random.split(key, 16)
    s_d = 1.0 / np.sqrt(D)
    s_2d = 1.0 / np.sqrt(2 * D)
    inp = {}
    inp["node_feats"] = jax.random.normal(ks[0], (N, D), dtype=jnp.float32)
    inp["neighbor_feats"] = jax.random.normal(ks[1], (N, D), dtype=jnp.float32)
    inp["edge_indices"] = jax.random.randint(ks[2], (2, E), 0, N, dtype=jnp.int32)
    inp["edge_weights"] = jax.random.uniform(ks[3], (E, 1), dtype=jnp.float32)
    # message_mlp: Dense(D, relu) -> Dense(D)
    inp["W1"] = jax.random.normal(ks[4], (D, D), dtype=jnp.float32) * s_d
    inp["b1"] = jnp.zeros((D,), dtype=jnp.float32)
    inp["W2"] = jax.random.normal(ks[5], (D, D), dtype=jnp.float32) * s_d
    inp["b2"] = jnp.zeros((D,), dtype=jnp.float32)
    # gate_mlp: Dense(D, sigmoid) over concat[2D]
    inp["Wg"] = jax.random.normal(ks[6], (2 * D, D), dtype=jnp.float32) * s_2d
    inp["bg"] = jnp.zeros((D,), dtype=jnp.float32)
    # update_mlp: Dense(D, relu) -> Dense(D) over concat[2D]
    inp["Wu1"] = jax.random.normal(ks[7], (2 * D, D), dtype=jnp.float32) * s_2d
    inp["bu1"] = jnp.zeros((D,), dtype=jnp.float32)
    inp["Wu2"] = jax.random.normal(ks[8], (D, D), dtype=jnp.float32) * s_d
    inp["bu2"] = jnp.zeros((D,), dtype=jnp.float32)
    # layer norm params
    inp["gamma"] = jnp.ones((D,), dtype=jnp.float32)
    inp["beta"] = jnp.zeros((D,), dtype=jnp.float32)
    return inp

def reference(node_feats, neighbor_feats, edge_indices, edge_weights, W1, b1, W2, b2, Wg, bg, Wu1, bu1, Wu2, bu2, gamma, beta):
    n_nodes = node_feats.shape[0]
    src_idx = edge_indices[0]
    dst_idx = edge_indices[1]
    # message MLP on neighbor feats (dropout off in eval)
    h = jnp.maximum(neighbor_feats @ W1 + b1, 0.0)
    neighbor_messages = h @ W2 + b2
    # gather per-edge messages
    messages = jnp.take(neighbor_messages, src_idx, axis=0)
    weighted_messages = messages * edge_weights
    # scatter-add aggregation (tf.scatter_nd accumulates duplicates)
    aggregated = jnp.zeros((n_nodes, neighbor_messages.shape[1]), dtype=jnp.float32).at[dst_idx].add(weighted_messages)
    degree = jnp.zeros((n_nodes, 1), dtype=jnp.float32).at[dst_idx].add(edge_weights)
    aggregated = aggregated / jnp.maximum(degree, 1.0)
    combined = jnp.concatenate([aggregated, node_feats], axis=-1)
    gate = jax.nn.sigmoid(combined @ Wg + bg)
    u = jnp.maximum(combined @ Wu1 + bu1, 0.0)
    update = u @ Wu2 + bu2
    output = gate * update + (1.0 - gate) * node_feats
    # LayerNormalization (keras default epsilon=1e-3)
    mean = jnp.mean(output, axis=-1, keepdims=True)
    var = jnp.var(output, axis=-1, keepdims=True)
    return (output - mean) / jnp.sqrt(var + 1e-3) * gamma + beta

if __name__ == "__main__":
    import jax
    _d = setup_inputs()
    print(jax.jit(kernel)(*tuple(_d.values())))

</pallas_src>

<mosaic_0001>
#map = affine_map<(d0, d1) -> (0, 0, 0, 0)>
#map1 = affine_map<(d0, d1) -> (0, 0)>
#map2 = affine_map<(d0, d1) -> (0, 0, 0)>
module attributes {stable_mosaic.version = 14 : i64} {
  func.func @_lambda_(%arg0: i32, %arg1: i32, %arg2: memref<3x32x79x128xi32, #tpu.memory_space<hbm>>, %arg3: memref<10112x16xf32, #tpu.memory_space<hbm>>, %arg4: memref<2x10112x16xf32, #tpu.memory_space<hbm>>, %arg5: memref<79x128xi32, #tpu.memory_space<vmem>>, %arg6: memref<79x128xi32, #tpu.memory_space<vmem>>, %arg7: memref<128x16xf32, #tpu.memory_space<vmem>>, %arg8: memref<10112x16xf32, #tpu.memory_space<vmem_shared>>, %arg9: memref<!tpu.dma_semaphore, #tpu.memory_space<semaphore_mem>>) attributes {dimension_semantics = [#tpu.dimension_semantics<core_parallel>, #tpu.dimension_semantics<subcore_parallel>], iteration_bounds = array<i64: 2, 16>, scalar_prefetch = 0 : i64, scratch_operands = 5 : i64, tpu.core_type = #tpu.core_type<sc_vector_subcore>, window_params = [{transform_indices = #map}, {transform_indices = #map1}, {transform_indices = #map2}]} {
    %mul3A = arith.constant 16 : i32
    %mul3A_0 = arith.muli %arg0, %mul3A : i32
    %add3A = arith.addi %mul3A_0, %arg1 : i32
    %run_scoped3A = arith.constant 1 : i32
    "tpu.region"() ({
      %run_scoped3A_23 = tpu.sem_alloc : memref<!tpu.dma_semaphore, #tpu.memory_space<semaphore_mem>>
      %dma_start3A = arith.constant 0 : i32
      %dma_start3A_24 = arith.constant 0 : i32
      %dma_start3A_25 = tpu.memref_slice %arg2[%run_scoped3A, %add3A, %dma_start3A, %dma_start3A_24] : memref<3x32x79x128xi32, #tpu.memory_space<hbm>> -> memref<1x1x79x128xi32, #tpu.memory_space<hbm>>
      %dma_start3A_26 = tpu.memref_squeeze %dma_start3A_25 : memref<1x1x79x128xi32, #tpu.memory_space<hbm>> -> memref<79x128xi32, #tpu.memory_space<hbm>>
      %dma_start3A_27 = arith.constant 0 : i32
      %dma_start3A_28 = arith.constant 0 : i32
      %dma_start3A_29 = tpu.memref_slice %arg2[%run_scoped3A, %add3A, %dma_start3A_27, %dma_start3A_28] : memref<3x32x79x128xi32, #tpu.memory_space<hbm>> -> memref<1x1x79x128xi32, #tpu.memory_space<hbm>>
      %dma_start3A_30 = tpu.memref_squeeze %dma_start3A_29 : memref<1x1x79x128xi32, #tpu.memory_space<hbm>> -> memref<79x128xi32, #tpu.memory_space<hbm>>
      tpu.enqueue_dma source(%dma_start3A_30 : memref<79x128xi32, #tpu.memory_space<hbm>>) target(%arg5 : memref<79x128xi32, #tpu.memory_space<vmem>>) target_semaphore(%run_scoped3A_23 : memref<!tpu.dma_semaphore, #tpu.memory_space<semaphore_mem>>)
      %dma_wait3A = arith.constant 0 : i32
      %dma_wait3A_31 = arith.constant 0 : i32
      %dma_wait3A_32 = tpu.memref_slice %arg2[%run_scoped3A, %add3A, %dma_wait3A, %dma_wait3A_31] : memref<3x32x79x128xi32, #tpu.memory_space<hbm>> -> memref<1x1x79x128xi32, #tpu.memory_space<hbm>>
      %dma_wait3A_33 = tpu.memref_squeeze %dma_wait3A_32 : memref<1x1x79x128xi32, #tpu.memory_space<hbm>> -> memref<79x128xi32, #tpu.memory_space<hbm>>
      %dma_wait3A_34 = arith.constant 0 : i32
      %dma_wait3A_35 = arith.constant 0 : i32
      %dma_wait3A_36 = tpu.memref_slice %arg2[%run_scoped3A, %add3A, %dma_wait3A_34, %dma_wait3A_35] : memref<3x32x79x128xi32, #tpu.memory_space<hbm>> -> memref<1x1x79x128xi32, #tpu.memory_space<hbm>>
      %dma_wait3A_37 = tpu.memref_squeeze %dma_wait3A_36 : memref<1x1x79x128xi32, #tpu.memory_space<hbm>> -> memref<79x128xi32, #tpu.memory_space<hbm>>
      tpu.wait_dma2 semaphore(%run_scoped3A_23 : memref<!tpu.dma_semaphore, #tpu.memory_space<semaphore_mem>>) src(%dma_wait3A_37 : memref<79x128xi32, #tpu.memory_space<hbm>>) dst(%arg5 : memref<79x128xi32, #tpu.memory_space<vmem>>)
      tpu.yield
    }) : () -> ()
    %run_scoped3A_1 = arith.constant 2 : i32
    "tpu.region"() ({
      %run_scoped3A_23 = tpu.sem_alloc : memref<!tpu.dma_semaphore, #tpu.memory_space<semaphore_mem>>
      %dma_start3A = arith.constant 0 : i32
      %dma_start3A_24 = arith.constant 0 : i32
      %dma_start3A_25 = tpu.memref_slice %arg2[%run_scoped3A_1, %add3A, %dma_start3A, %dma_start3A_24] : memref<3x32x79x128xi32, #tpu.memory_space<hbm>> -> memref<1x1x79x128xi32, #tpu.memory_space<hbm>>
      %dma_start3A_26 = tpu.memref_squeeze %dma_start3A_25 : memref<1x1x79x128xi32, #tpu.memory_space<hbm>> -> memref<79x128xi32, #tpu.memory_space<hbm>>
      %dma_start3A_27 = arith.constant 0 : i32
      %dma_start3A_28 = arith.constant 0 : i32
      %dma_start3A_29 = tpu.memref_slice %arg2[%run_scoped3A_1, %add3A, %dma_start3A_27, %dma_start3A_28] : memref<3x32x79x128xi32, #tpu.memory_space<hbm>> -> memref<1x1x79x128xi32, #tpu.memory_space<hbm>>
      %dma_start3A_30 = tpu.memref_squeeze %dma_start3A_29 : memref<1x1x79x128xi32, #tpu.memory_space<hbm>> -> memref<79x128xi32, #tpu.memory_space<hbm>>
      tpu.enqueue_dma source(%dma_start3A_30 : memref<79x128xi32, #tpu.memory_space<hbm>>) target(%arg6 : memref<79x128xi32, #tpu.memory_space<vmem>>) target_semaphore(%run_scoped3A_23 : memref<!tpu.dma_semaphore, #tpu.memory_space<semaphore_mem>>)
      %dma_wait3A = arith.constant 0 : i32
      %dma_wait3A_31 = arith.constant 0 : i32
      %dma_wait3A_32 = tpu.memref_slice %arg2[%run_scoped3A_1, %add3A, %dma_wait3A, %dma_wait3A_31] : memref<3x32x79x128xi32, #tpu.memory_space<hbm>> -> memref<1x1x79x128xi32, #tpu.memory_space<hbm>>
      %dma_wait3A_33 = tpu.memref_squeeze %dma_wait3A_32 : memref<1x1x79x128xi32, #tpu.memory_space<hbm>> -> memref<79x128xi32, #tpu.memory_space<hbm>>
      %dma_wait3A_34 = arith.constant 0 : i32
      %dma_wait3A_35 = arith.constant 0 : i32
      %dma_wait3A_36 = tpu.memref_slice %arg2[%run_scoped3A_1, %add3A, %dma_wait3A_34, %dma_wait3A_35] : memref<3x32x79x128xi32, #tpu.memory_space<hbm>> -> memref<1x1x79x128xi32, #tpu.memory_space<hbm>>
      %dma_wait3A_37 = tpu.memref_squeeze %dma_wait3A_36 : memref<1x1x79x128xi32, #tpu.memory_space<hbm>> -> memref<79x128xi32, #tpu.memory_space<hbm>>
      tpu.wait_dma2 semaphore(%run_scoped3A_23 : memref<!tpu.dma_semaphore, #tpu.memory_space<semaphore_mem>>) src(%dma_wait3A_37 : memref<79x128xi32, #tpu.memory_space<hbm>>) dst(%arg6 : memref<79x128xi32, #tpu.memory_space<vmem>>)
      tpu.yield
    }) : () -> ()
    %mul3A_2 = arith.constant 632 : i32
    %mul3A_3 = arith.muli %arg1, %mul3A_2 : i32
    %mul3A_4 = arith.constant 632 : i32
    %mul3A_5 = arith.muli %arg1, %mul3A_4 : i32
    "tpu.region"() ({
      %run_scoped3A_23 = tpu.sem_alloc : memref<!tpu.dma_semaphore, #tpu.memory_space<semaphore_mem>>
      %dma_start3A = arith.constant 0 : i32
      %dma_start3A_24 = tpu.memref_slice %arg8[%mul3A_5, %dma_start3A] : memref<10112x16xf32, #tpu.memory_space<vmem_shared>> -> memref<632x16xf32, #tpu.memory_space<vmem_shared>>
      %dma_start3A_25 = arith.constant 0 : i32
      %dma_start3A_26 = tpu.memref_slice %arg3[%mul3A_3, %dma_start3A_25] : memref<10112x16xf32, #tpu.memory_space<hbm>> -> memref<632x16xf32, #tpu.memory_space<hbm>>
      tpu.enqueue_dma source(%dma_start3A_26 : memref<632x16xf32, #tpu.memory_space<hbm>>) target(%dma_start3A_24 : memref<632x16xf32, #tpu.memory_space<vmem_shared>>) target_semaphore(%run_scoped3A_23 : memref<!tpu.dma_semaphore, #tpu.memory_space<semaphore_mem>>)
      %dma_wait3A = arith.constant 0 : i32
      %dma_wait3A_27 = tpu.memref_slice %arg8[%mul3A_5, %dma_wait3A] : memref<10112x16xf32, #tpu.memory_space<vmem_shared>> -> memref<632x16xf32, #tpu.memory_space<vmem_shared>>
      %dma_wait3A_28 = arith.constant 0 : i32
      %dma_wait3A_29 = tpu.memref_slice %arg3[%mul3A_3, %dma_wait3A_28] : memref<10112x16xf32, #tpu.memory_space<hbm>> -> memref<632x16xf32, #tpu.memory_space<hbm>>
      tpu.wait_dma2 semaphore(%run_scoped3A_23 : memref<!tpu.dma_semaphore, #tpu.memory_space<semaphore_mem>>) src(%dma_wait3A_29 : memref<632x16xf32, #tpu.memory_space<hbm>>) dst(%dma_wait3A_27 : memref<632x16xf32, #tpu.memory_space<vmem_shared>>)
      tpu.yield
    }) : () -> ()
    %scan3A = arith.constant 0 : i32
    %scan3A_6 = arith.constant 0 : i32
    %scan3A_7 = arith.constant 128 : i32
    %scan3A_8 = arith.addi %scan3A_6, %scan3A_7 : i32
    %scan3A_9 = arith.constant 1 : i32
    scf.for %scan3A_23 = %scan3A_6 to %scan3A_8 step %scan3A_9  : i32 {
      %broadcast_in_dim3A_24 = arith.constant 0.000000e+00 : f32
      %broadcast_in_dim3A_25 = vector.broadcast %broadcast_in_dim3A_24 : f32 to vector<16xf32>
      %swap3A = arith.index_cast %scan3A_23 : i32 to index
      %swap3A_26 = arith.constant 0 : index
      %swap3A_27 = tpu.vector_load %arg7[%swap3A, %swap3A_26] {strides = array<i32>} : memref<128x16xf32, #tpu.memory_space<vmem>>, vector<16xf32>,
      tpu.vector_store %arg7[%swap3A, %swap3A_26], %broadcast_in_dim3A_25 {strides = array<i32>} : memref<128x16xf32, #tpu.memory_space<vmem>>, vector<16xf32>,
    }
    %scan3A_10 = arith.constant 128 : i32
    %barrier3A = arith.constant 0 : index
    tpu.barrier barrier_id(%barrier3A)
    %broadcast_in_dim3A = arith.constant 0 : i32
    %broadcast_in_dim3A_11 = vector.broadcast %broadcast_in_dim3A : i32 to vector<16xi32>
    %iota3A = tpu.iota {dimensions = array<i32: 0>} : vector<16xi32>
    %scan3A_12 = arith.constant 0 : i32
    %scan3A_13 = arith.constant 0 : i32
    %scan3A_14 = arith.constant 79 : i32
    %scan3A_15 = arith.addi %scan3A_13, %scan3A_14 : i32
    %scan3A_16 = arith.constant 1 : i32
    scf.for %scan3A_23 = %scan3A_13 to %scan3A_15 step %scan3A_16  : i32 {
      %get3A = arith.index_cast %scan3A_23 : i32 to index
      %get3A_24 = arith.constant 0 : index
      %get3A_25 = tpu.vector_load %arg6[%get3A, %get3A_24] {strides = array<i32>} : memref<79x128xi32, #tpu.memory_space<vmem>>, vector<16xi32>,
      %bitcast3A = vector.bitcast %get3A_25 : vector<16xi32> to vector<16xf32>
      %add3A_26 = arith.constant 0 : i32
      %add3A_27 = vector.broadcast %add3A_26 : i32 to vector<16xi32>
      %add3A_28 = arith.addi %add3A_27, %iota3A : vector<16xi32>
      tpu.vector_store_idx %arg7[%add3A_28, %broadcast_in_dim3A_11], %bitcast3A : memref<128x16xf32, #tpu.memory_space<vmem>>[vector<16xi32>, vector<16xi32>], vector<16xf32>,
      %get3A_29 = arith.index_cast %scan3A_23 : i32 to index
      %get3A_30 = arith.constant 16 : index
      %get3A_31 = tpu.vector_load %arg6[%get3A_29, %get3A_30] {strides = array<i32>} : memref<79x128xi32, #tpu.memory_space<vmem>>, vector<16xi32>,
      %bitcast3A_32 = vector.bitcast %get3A_31 : vector<16xi32> to vector<16xf32>
      %add3A_33 = arith.constant 16 : i32
      %add3A_34 = vector.broadcast %add3A_33 : i32 to vector<16xi32>
      %add3A_35 = arith.addi %add3A_34, %iota3A : vector<16xi32>
      tpu.vector_store_idx %arg7[%add3A_35, %broadcast_in_dim3A_11], %bitcast3A_32 : memref<128x16xf32, #tpu.memory_space<vmem>>[vector<16xi32>, vector<16xi32>], vector<16xf32>,
      %get3A_36 = arith.index_cast %scan3A_23 : i32 to index
      %get3A_37 = arith.constant 32 : index
      %get3A_38 = tpu.vector_load %arg6[%get3A_36, %get3A_37] {strides = array<i32>} : memref<79x128xi32, #tpu.memory_space<vmem>>, vector<16xi32>,
      %bitcast3A_39 = vector.bitcast %get3A_38 : vector<16xi32> to vector<16xf32>
      %add3A_40 = arith.constant 32 : i32
      %add3A_41 = vector.broadcast %add3A_40 : i32 to vector<16xi32>
      %add3A_42 = arith.addi %add3A_41, %iota3A : vector<16xi32>
      tpu.vector_store_idx %arg7[%add3A_42, %broadcast_in_dim3A_11], %bitcast3A_39 : memref<128x16xf32, #tpu.memory_space<vmem>>[vector<16xi32>, vector<16xi32>], vector<16xf32>,
      %get3A_43 = arith.index_cast %scan3A_23 : i32 to index
      %get3A_44 = arith.constant 48 : index
      %get3A_45 = tpu.vector_load %arg6[%get3A_43, %get3A_44] {strides = array<i32>} : memref<79x128xi32, #tpu.memory_space<vmem>>, vector<16xi32>,
      %bitcast3A_46 = vector.bitcast %get3A_45 : vector<16xi32> to vector<16xf32>
      %add3A_47 = arith.constant 48 : i32
      %add3A_48 = vector.broadcast %add3A_47 : i32 to vector<16xi32>
      %add3A_49 = arith.addi %add3A_48, %iota3A : vector<16xi32>
      tpu.vector_store_idx %arg7[%add3A_49, %broadcast_in_dim3A_11], %bitcast3A_46 : memref<128x16xf32, #tpu.memory_space<vmem>>[vector<16xi32>, vector<16xi32>], vector<16xf32>,
      %get3A_50 = arith.index_cast %scan3A_23 : i32 to index
      %get3A_51 = arith.constant 64 : index
      %get3A_52 = tpu.vector_load %arg6[%get3A_50, %get3A_51] {strides = array<i32>} : memref<79x128xi32, #tpu.memory_space<vmem>>, vector<16xi32>,
      %bitcast3A_53 = vector.bitcast %get3A_52 : vector<16xi32> to vector<16xf32>
      %add3A_54 = arith.constant 64 : i32
      %add3A_55 = vector.broadcast %add3A_54 : i32 to vector<16xi32>
      %add3A_56 = arith.addi %add3A_55, %iota3A : vector<16xi32>
      tpu.vector_store_idx %arg7[%add3A_56, %broadcast_in_dim3A_11], %bitcast3A_53 : memref<128x16xf32, #tpu.memory_space<vmem>>[vector<16xi32>, vector<16xi32>], vector<16xf32>,
      %get3A_57 = arith.index_cast %scan3A_23 : i32 to index
      %get3A_58 = arith.constant 80 : index
      %get3A_59 = tpu.vector_load %arg6[%get3A_57, %get3A_58] {strides = array<i32>} : memref<79x128xi32, #tpu.memory_space<vmem>>, vector<16xi32>,
      %bitcast3A_60 = vector.bitcast %get3A_59 : vector<16xi32> to vector<16xf32>
      %add3A_61 = arith.constant 80 : i32
      %add3A_62 = vector.broadcast %add3A_61 : i32 to vector<16xi32>
      %add3A_63 = arith.addi %add3A_62, %iota3A : vector<16xi32>
      tpu.vector_store_idx %arg7[%add3A_63, %broadcast_in_dim3A_11], %bitcast3A_60 : memref<128x16xf32, #tpu.memory_space<vmem>>[vector<16xi32>, vector<16xi32>], vector<16xf32>,
      %get3A_64 = arith.index_cast %scan3A_23 : i32 to index
      %get3A_65 = arith.constant 96 : index
      %get3A_66 = tpu.vector_load %arg6[%get3A_64, %get3A_65] {strides = array<i32>} : memref<79x128xi32, #tpu.memory_space<vmem>>, vector<16xi32>,
      %bitcast3A_67 = vector.bitcast %get3A_66 : vector<16xi32> to vector<16xf32>
      %add3A_68 = arith.constant 96 : i32
      %add3A_69 = vector.broadcast %add3A_68 : i32 to vector<16xi32>
      %add3A_70 = arith.addi %add3A_69, %iota3A : vector<16xi32>
      tpu.vector_store_idx %arg7[%add3A_70, %broadcast_in_dim3A_11], %bitcast3A_67 : memref<128x16xf32, #tpu.memory_space<vmem>>[vector<16xi32>, vector<16xi32>], vector<16xf32>,
      %get3A_71 = arith.index_cast %scan3A_23 : i32 to index
      %get3A_72 = arith.constant 112 : index
      %get3A_73 = tpu.vector_load %arg6[%get3A_71, %get3A_72] {strides = array<i32>} : memref<79x128xi32, #tpu.memory_space<vmem>>, vector<16xi32>,
      %bitcast3A_74 = vector.bitcast %get3A_73 : vector<16xi32> to vector<16xf32>
      %add3A_75 = arith.constant 112 : i32
      %add3A_76 = vector.broadcast %add3A_75 : i32 to vector<16xi32>
      %add3A_77 = arith.addi %add3A_76, %iota3A : vector<16xi32>
      tpu.vector_store_idx %arg7[%add3A_77, %broadcast_in_dim3A_11], %bitcast3A_74 : memref<128x16xf32, #tpu.memory_space<vmem>>[vector<16xi32>, vector<16xi32>], vector<16xf32>,
      "tpu.region"() ({
        %run_scoped3A_78 = tpu.sem_alloc : memref<!tpu.dma_semaphore, #tpu.memory_space<semaphore_mem>>
        %dma_start3A = arith.constant 0 : i32
        %dma_start3A_79 = tpu.memref_slice %arg5[%scan3A_23, %dma_start3A] : memref<79x128xi32, #tpu.memory_space<vmem>> -> memref<1x128xi32, #tpu.memory_space<vmem>>
        %dma_start3A_80 = tpu.memref_squeeze %dma_start3A_79 : memref<1x128xi32, #tpu.memory_space<vmem>> -> memref<128xi32, #tpu.memory_space<vmem>>
        %dma_start3A_81 = arith.constant 0 : i32
        %dma_start3A_82 = arith.constant 0 : i32
        %dma_start3A_83 = tpu.memref_slice %arg8[%dma_start3A_81, %dma_start3A_82] : memref<10112x16xf32, #tpu.memory_space<vmem_shared>> -> memref<10112x16xf32, #tpu.memory_space<vmem_shared>>
        tpu.enqueue_indirect_dma source(%arg7 : memref<128x16xf32, #tpu.memory_space<vmem>>) target(%dma_start3A_83 : memref<10112x16xf32, #tpu.memory_space<vmem_shared>>) offsets(%dma_start3A_80 : memref<128xi32, #tpu.memory_space<vmem>>) semaphore(%run_scoped3A_78 : memref<!tpu.dma_semaphore, #tpu.memory_space<semaphore_mem>>) {add = true}
        %dma_wait3A = arith.constant 0 : i32
        %dma_wait3A_84 = tpu.memref_slice %arg5[%scan3A_23, %dma_wait3A] : memref<79x128xi32, #tpu.memory_space<vmem>> -> memref<1x128xi32, #tpu.memory_space<vmem>>
        %dma_wait3A_85 = tpu.memref_squeeze %dma_wait3A_84 : memref<1x128xi32, #tpu.memory_space<vmem>> -> memref<128xi32, #tpu.memory_space<vmem>>
        %dma_wait3A_86 = arith.constant 0 : i32
        %dma_wait3A_87 = arith.constant 0 : i32
        %dma_wait3A_88 = tpu.memref_slice %arg8[%dma_wait3A_86, %dma_wait3A_87] : memref<10112x16xf32, #tpu.memory_space<vmem_shared>> -> memref<10112x16xf32, #tpu.memory_space<vmem_shared>>
        tpu.wait_indirect_dma semaphore(%run_scoped3A_78 : memref<!tpu.dma_semaphore, #tpu.memory_space<semaphore_mem>>) src(%arg7 : memref<128x16xf32, #tpu.memory_space<vmem>>) dst(%dma_wait3A_88 : memref<10112x16xf32, #tpu.memory_space<vmem_shared>>)
        tpu.yield
      }) : () -> ()
    }
    %scan3A_17 = arith.constant 79 : i32
    %barrier3A_18 = arith.constant 0 : index
    tpu.barrier barrier_id(%barrier3A_18)
    %mul3A_19 = arith.constant 632 : i32
    %mul3A_20 = arith.muli %arg1, %mul3A_19 : i32
    %mul3A_21 = arith.constant 632 : i32
    %mul3A_22 = arith.muli %arg1, %mul3A_21 : i32
    "tpu.region"() ({
      %run_scoped3A_23 = tpu.sem_alloc : memref<!tpu.dma_semaphore, #tpu.memory_space<semaphore_mem>>
      %dma_start3A = arith.constant 0 : i32
      %dma_start3A_24 = tpu.memref_slice %arg4[%arg0, %mul3A_22, %dma_start3A] : memref<2x10112x16xf32, #tpu.memory_space<hbm>> -> memref<1x632x16xf32, #tpu.memory_space<hbm>>
      %dma_start3A_25 = tpu.memref_squeeze %dma_start3A_24 : memref<1x632x16xf32, #tpu.memory_space<hbm>> -> memref<632x16xf32, #tpu.memory_space<hbm>>
      %dma_start3A_26 = arith.constant 0 : i32
      %dma_start3A_27 = tpu.memref_slice %arg8[%mul3A_20, %dma_start3A_26] : memref<10112x16xf32, #tpu.memory_space<vmem_shared>> -> memref<632x16xf32, #tpu.memory_space<vmem_shared>>
      tpu.enqueue_dma source(%dma_start3A_27 : memref<632x16xf32, #tpu.memory_space<vmem_shared>>) target(%dma_start3A_25 : memref<632x16xf32, #tpu.memory_space<hbm>>) target_semaphore(%run_scoped3A_23 : memref<!tpu.dma_semaphore, #tpu.memory_space<semaphore_mem>>)
      %dma_wait3A = arith.constant 0 : i32
      %dma_wait3A_28 = tpu.memref_slice %arg4[%arg0, %mul3A_22, %dma_wait3A] : memref<2x10112x16xf32, #tpu.memory_space<hbm>> -> memref<1x632x16xf32, #tpu.memory_space<hbm>>
      %dma_wait3A_29 = tpu.memref_squeeze %dma_wait3A_28 : memref<1x632x16xf32, #tpu.memory_space<hbm>> -> memref<632x16xf32, #tpu.memory_space<hbm>>
      %dma_wait3A_30 = arith.constant 0 : i32
      %dma_wait3A_31 = tpu.memref_slice %arg8[%mul3A_20, %dma_wait3A_30] : memref<10112x16xf32, #tpu.memory_space<vmem_shared>> -> memref<632x16xf32, #tpu.memory_space<vmem_shared>>
      tpu.wait_dma2 semaphore(%run_scoped3A_23 : memref<!tpu.dma_semaphore, #tpu.memory_space<semaphore_mem>>) src(%dma_wait3A_31 : memref<632x16xf32, #tpu.memory_space<vmem_shared>>) dst(%dma_wait3A_29 : memref<632x16xf32, #tpu.memory_space<hbm>>)
      tpu.yield
    }) : () -> ()
    return
  }
}

#map = affine_map<(d0, d1) -> (0, 0)>
#map1 = affine_map<(d0, d1) -> (0, 0, 0, 0)>
#map2 = affine_map<(d0, d1) -> (0, 0, 0)>
module attributes {stable_mosaic.version = 14 : i64} {
  func.func @_lambda_(%arg0: i32, %arg1: i32, %arg2: memref<10000x128xf32, #tpu.memory_space<hbm>>, %arg3: memref<3x32x79x128xi32, #tpu.memory_space<hbm>>, %arg4: memref<10112x128xf32, #tpu.memory_space<hbm>>, %arg5: memref<2x10112x128xf32, #tpu.memory_space<hbm>>, %arg6: memref<79x128xi32, #tpu.memory_space<vmem>>, %arg7: memref<79x128xi32, #tpu.memory_space<vmem>>, %arg8: memref<79x128xi32, #tpu.memory_space<vmem>>, %arg9: memref<128x128xf32, #tpu.memory_space<vmem>>, %arg10: memref<10112x128xf32, #tpu.memory_space<vmem_shared>>, %arg11: memref<!tpu.dma_semaphore, #tpu.memory_space<semaphore_mem>>) attributes {dimension_semantics = [#tpu.dimension_semantics<core_parallel>, #tpu.dimension_semantics<subcore_parallel>], iteration_bounds = array<i64: 2, 16>, scalar_prefetch = 0 : i64, scratch_operands = 6 : i64, tpu.core_type = #tpu.core_type<sc_vector_subcore>, window_params = [{transform_indices = #map}, {transform_indices = #map1}, {transform_indices = #map}, {transform_indices = #map2}]} {
    %mul3A = arith.constant 16 : i32
    %mul3A_0 = arith.muli %arg0, %mul3A : i32
    %add3A = arith.addi %mul3A_0, %arg1 : i32
    %mul3A_1 = arith.constant 632 : i32
    %mul3A_2 = arith.muli %arg1, %mul3A_1 : i32
    %mul3A_3 = arith.constant 632 : i32
    %mul3A_4 = arith.muli %arg1, %mul3A_3 : i32
    "tpu.region"() ({
      %run_scoped3A_17 = tpu.sem_alloc : memref<!tpu.dma_semaphore, #tpu.memory_space<semaphore_mem>>
      %dma_start3A = arith.constant 0 : i32
      %dma_start3A_18 = tpu.memref_slice %arg10[%mul3A_4, %dma_start3A] : memref<10112x128xf32, #tpu.memory_space<vmem_shared>> -> memref<632x128xf32, #tpu.memory_space<vmem_shared>>
      %dma_start3A_19 = arith.constant 0 : i32
      %dma_start3A_20 = tpu.memref_slice %arg4[%mul3A_2, %dma_start3A_19] : memref<10112x128xf32, #tpu.memory_space<hbm>> -> memref<632x128xf32, #tpu.memory_space<hbm>>
      tpu.enqueue_dma source(%dma_start3A_20 : memref<632x128xf32, #tpu.memory_space<hbm>>) target(%dma_start3A_18 : memref<632x128xf32, #tpu.memory_space<vmem_shared>>) target_semaphore(%run_scoped3A_17 : memref<!tpu.dma_semaphore, #tpu.memory_space<semaphore_mem>>)
      %dma_wait3A = arith.constant 0 : i32
      %dma_wait3A_21 = tpu.memref_slice %arg10[%mul3A_4, %dma_wait3A] : memref<10112x128xf32, #tpu.memory_space<vmem_shared>> -> memref<632x128xf32, #tpu.memory_space<vmem_shared>>
      %dma_wait3A_22 = arith.constant 0 : i32
      %dma_wait3A_23 = tpu.memref_slice %arg4[%mul3A_2, %dma_wait3A_22] : memref<10112x128xf32, #tpu.memory_space<hbm>> -> memref<632x128xf32, #tpu.memory_space<hbm>>
      tpu.wait_dma2 semaphore(%run_scoped3A_17 : memref<!tpu.dma_semaphore, #tpu.memory_space<semaphore_mem>>) src(%dma_wait3A_23 : memref<632x128xf32, #tpu.memory_space<hbm>>) dst(%dma_wait3A_21 : memref<632x128xf32, #tpu.memory_space<vmem_shared>>)
      tpu.yield
    }) : () -> ()
    %barrier3A = arith.constant 0 : index
    tpu.barrier barrier_id(%barrier3A)
    %run_scoped3A = arith.constant 0 : i32
    "tpu.region"() ({
      %run_scoped3A_17 = tpu.sem_alloc : memref<!tpu.dma_semaphore, #tpu.memory_space<semaphore_mem>>
      %dma_start3A = arith.constant 0 : i32
      %dma_start3A_18 = arith.constant 0 : i32
      %dma_start3A_19 = tpu.memref_slice %arg3[%run_scoped3A, %add3A, %dma_start3A, %dma_start3A_18] : memref<3x32x79x128xi32, #tpu.memory_space<hbm>> -> memref<1x1x79x128xi32, #tpu.memory_space<hbm>>
      %dma_start3A_20 = tpu.memref_squeeze %dma_start3A_19 : memref<1x1x79x128xi32, #tpu.memory_space<hbm>> -> memref<79x128xi32, #tpu.memory_space<hbm>>
      %dma_start3A_21 = arith.constant 0 : i32
      %dma_start3A_22 = arith.constant 0 : i32
      %dma_start3A_23 = tpu.memref_slice %arg3[%run_scoped3A, %add3A, %dma_start3A_21, %dma_start3A_22] : memref<3x32x79x128xi32, #tpu.memory_space<hbm>> -> memref<1x1x79x128xi32, #tpu.memory_space<hbm>>
      %dma_start3A_24 = tpu.memref_squeeze %dma_start3A_23 : memref<1x1x79x128xi32, #tpu.memory_space<hbm>> -> memref<79x128xi32, #tpu.memory_space<hbm>>
      tpu.enqueue_dma source(%dma_start3A_24 : memref<79x128xi32, #tpu.memory_space<hbm>>) target(%arg6 : memref<79x128xi32, #tpu.memory_space<vmem>>) target_semaphore(%run_scoped3A_17 : memref<!tpu.dma_semaphore, #tpu.memory_space<semaphore_mem>>)
      %dma_wait3A = arith.constant 0 : i32
      %dma_wait3A_25 = arith.constant 0 : i32
      %dma_wait3A_26 = tpu.memref_slice %arg3[%run_scoped3A, %add3A, %dma_wait3A, %dma_wait3A_25] : memref<3x32x79x128xi32, #tpu.memory_space<hbm>> -> memref<1x1x79x128xi32, #tpu.memory_space<hbm>>
      %dma_wait3A_27 = tpu.memref_squeeze %dma_wait3A_26 : memref<1x1x79x128xi32, #tpu.memory_space<hbm>> -> memref<79x128xi32, #tpu.memory_space<hbm>>
      %dma_wait3A_28 = arith.constant 0 : i32
      %dma_wait3A_29 = arith.constant 0 : i32
      %dma_wait3A_30 = tpu.memref_slice %arg3[%run_scoped3A, %add3A, %dma_wait3A_28, %dma_wait3A_29] : memref<3x32x79x128xi32, #tpu.memory_space<hbm>> -> memref<1x1x79x128xi32, #tpu.memory_space<hbm>>
      %dma_wait3A_31 = tpu.memref_squeeze %dma_wait3A_30 : memref<1x1x79x128xi32, #tpu.memory_space<hbm>> -> memref<79x128xi32, #tpu.memory_space<hbm>>
      tpu.wait_dma2 semaphore(%run_scoped3A_17 : memref<!tpu.dma_semaphore, #tpu.memory_space<semaphore_mem>>) src(%dma_wait3A_31 : memref<79x128xi32, #tpu.memory_space<hbm>>) dst(%arg6 : memref<79x128xi32, #tpu.memory_space<vmem>>)
      tpu.yield
    }) : () -> ()
    %run_scoped3A_5 = arith.constant 1 : i32
    "tpu.region"() ({
      %run_scoped3A_17 = tpu.sem_alloc : memref<!tpu.dma_semaphore, #tpu.memory_space<semaphore_mem>>
      %dma_start3A = arith.constant 0 : i32
      %dma_start3A_18 = arith.constant 0 : i32
      %dma_start3A_19 = tpu.memref_slice %arg3[%run_scoped3A_5, %add3A, %dma_start3A, %dma_start3A_18] : memref<3x32x79x128xi32, #tpu.memory_space<hbm>> -> memref<1x1x79x128xi32, #tpu.memory_space<hbm>>
      %dma_start3A_20 = tpu.memref_squeeze %dma_start3A_19 : memref<1x1x79x128xi32, #tpu.memory_space<hbm>> -> memref<79x128xi32, #tpu.memory_space<hbm>>
      %dma_start3A_21 = arith.constant 0 : i32
      %dma_start3A_22 = arith.constant 0 : i32
      %dma_start3A_23 = tpu.memref_slice %arg3[%run_scoped3A_5, %add3A, %dma_start3A_21, %dma_start3A_22] : memref<3x32x79x128xi32, #tpu.memory_space<hbm>> -> memref<1x1x79x128xi32, #tpu.memory_space<hbm>>
      %dma_start3A_24 = tpu.memref_squeeze %dma_start3A_23 : memref<1x1x79x128xi32, #tpu.memory_space<hbm>> -> memref<79x128xi32, #tpu.memory_space<hbm>>
      tpu.enqueue_dma source(%dma_start3A_24 : memref<79x128xi32, #tpu.memory_space<hbm>>) target(%arg7 : memref<79x128xi32, #tpu.memory_space<vmem>>) target_semaphore(%run_scoped3A_17 : memref<!tpu.dma_semaphore, #tpu.memory_space<semaphore_mem>>)
      %dma_wait3A = arith.constant 0 : i32
      %dma_wait3A_25 = arith.constant 0 : i32
      %dma_wait3A_26 = tpu.memref_slice %arg3[%run_scoped3A_5, %add3A, %dma_wait3A, %dma_wait3A_25] : memref<3x32x79x128xi32, #tpu.memory_space<hbm>> -> memref<1x1x79x128xi32, #tpu.memory_space<hbm>>
      %dma_wait3A_27 = tpu.memref_squeeze %dma_wait3A_26 : memref<1x1x79x128xi32, #tpu.memory_space<hbm>> -> memref<79x128xi32, #tpu.memory_space<hbm>>
      %dma_wait3A_28 = arith.constant 0 : i32
      %dma_wait3A_29 = arith.constant 0 : i32
      %dma_wait3A_30 = tpu.memref_slice %arg3[%run_scoped3A_5, %add3A, %dma_wait3A_28, %dma_wait3A_29] : memref<3x32x79x128xi32, #tpu.memory_space<hbm>> -> memref<1x1x79x128xi32, #tpu.memory_space<hbm>>
      %dma_wait3A_31 = tpu.memref_squeeze %dma_wait3A_30 : memref<1x1x79x128xi32, #tpu.memory_space<hbm>> -> memref<79x128xi32, #tpu.memory_space<hbm>>
      tpu.wait_dma2 semaphore(%run_scoped3A_17 : memref<!tpu.dma_semaphore, #tpu.memory_space<semaphore_mem>>) src(%dma_wait3A_31 : memref<79x128xi32, #tpu.memory_space<hbm>>) dst(%arg7 : memref<79x128xi32, #tpu.memory_space<vmem>>)
      tpu.yield
    }) : () -> ()
    %run_scoped3A_6 = arith.constant 2 : i32
    "tpu.region"() ({
      %run_scoped3A_17 = tpu.sem_alloc : memref<!tpu.dma_semaphore, #tpu.memory_space<semaphore_mem>>
      %dma_start3A = arith.constant 0 : i32
      %dma_start3A_18 = arith.constant 0 : i32
      %dma_start3A_19 = tpu.memref_slice %arg3[%run_scoped3A_6, %add3A, %dma_start3A, %dma_start3A_18] : memref<3x32x79x128xi32, #tpu.memory_space<hbm>> -> memref<1x1x79x128xi32, #tpu.memory_space<hbm>>
      %dma_start3A_20 = tpu.memref_squeeze %dma_start3A_19 : memref<1x1x79x128xi32, #tpu.memory_space<hbm>> -> memref<79x128xi32, #tpu.memory_space<hbm>>
      %dma_start3A_21 = arith.constant 0 : i32
      %dma_start3A_22 = arith.constant 0 : i32
      %dma_start3A_23 = tpu.memref_slice %arg3[%run_scoped3A_6, %add3A, %dma_start3A_21, %dma_start3A_22] : memref<3x32x79x128xi32, #tpu.memory_space<hbm>> -> memref<1x1x79x128xi32, #tpu.memory_space<hbm>>
      %dma_start3A_24 = tpu.memref_squeeze %dma_start3A_23 : memref<1x1x79x128xi32, #tpu.memory_space<hbm>> -> memref<79x128xi32, #tpu.memory_space<hbm>>
      tpu.enqueue_dma source(%dma_start3A_24 : memref<79x128xi32, #tpu.memory_space<hbm>>) target(%arg8 : memref<79x128xi32, #tpu.memory_space<vmem>>) target_semaphore(%run_scoped3A_17 : memref<!tpu.dma_semaphore, #tpu.memory_space<semaphore_mem>>)
      %dma_wait3A = arith.constant 0 : i32
      %dma_wait3A_25 = arith.constant 0 : i32
      %dma_wait3A_26 = tpu.memref_slice %arg3[%run_scoped3A_6, %add3A, %dma_wait3A, %dma_wait3A_25] : memref<3x32x79x128xi32, #tpu.memory_space<hbm>> -> memref<1x1x79x128xi32, #tpu.memory_space<hbm>>
      %dma_wait3A_27 = tpu.memref_squeeze %dma_wait3A_26 : memref<1x1x79x128xi32, #tpu.memory_space<hbm>> -> memref<79x128xi32, #tpu.memory_space<hbm>>
      %dma_wait3A_28 = arith.constant 0 : i32
      %dma_wait3A_29 = arith.constant 0 : i32
      %dma_wait3A_30 = tpu.memref_slice %arg3[%run_scoped3A_6, %add3A, %dma_wait3A_28, %dma_wait3A_29] : memref<3x32x79x128xi32, #tpu.memory_space<hbm>> -> memref<1x1x79x128xi32, #tpu.memory_space<hbm>>
      %dma_wait3A_31 = tpu.memref_squeeze %dma_wait3A_30 : memref<1x1x79x128xi32, #tpu.memory_space<hbm>> -> memref<79x128xi32, #tpu.memory_space<hbm>>
      tpu.wait_dma2 semaphore(%run_scoped3A_17 : memref<!tpu.dma_semaphore, #tpu.memory_space<semaphore_mem>>) src(%dma_wait3A_31 : memref<79x128xi32, #tpu.memory_space<hbm>>) dst(%arg8 : memref<79x128xi32, #tpu.memory_space<vmem>>)
      tpu.yield
    }) : () -> ()
    %scan3A = arith.constant 0 : i32
    %scan3A_7 = arith.constant 0 : i32
    %scan3A_8 = arith.constant 79 : i32
    %scan3A_9 = arith.addi %scan3A_7, %scan3A_8 : i32
    %scan3A_10 = arith.constant 1 : i32
    scf.for %scan3A_17 = %scan3A_7 to %scan3A_9 step %scan3A_10  : i32 {
      %dma_start3A = arith.constant 0 : i32
      %dma_start3A_18 = tpu.memref_slice %arg6[%scan3A_17, %dma_start3A] : memref<79x128xi32, #tpu.memory_space<vmem>> -> memref<1x128xi32, #tpu.memory_space<vmem>>
      %dma_start3A_19 = tpu.memref_squeeze %dma_start3A_18 : memref<1x128xi32, #tpu.memory_space<vmem>> -> memref<128xi32, #tpu.memory_space<vmem>>
      %dma_start3A_20 = arith.constant 0 : i32
      %dma_start3A_21 = arith.constant 0 : i32
      %dma_start3A_22 = tpu.memref_slice %arg2[%dma_start3A_20, %dma_start3A_21] : memref<10000x128xf32, #tpu.memory_space<hbm>> -> memref<10000x128xf32, #tpu.memory_space<hbm>>
      tpu.enqueue_indirect_dma source(%dma_start3A_22 : memref<10000x128xf32, #tpu.memory_space<hbm>>) target(%arg9 : memref<128x128xf32, #tpu.memory_space<vmem>>) offsets(%dma_start3A_19 : memref<128xi32, #tpu.memory_space<vmem>>) semaphore(%arg11 : memref<!tpu.dma_semaphore, #tpu.memory_space<semaphore_mem>>)
      %dma_wait3A = arith.constant 0 : i32
      %dma_wait3A_23 = tpu.memref_slice %arg6[%scan3A_17, %dma_wait3A] : memref<79x128xi32, #tpu.memory_space<vmem>> -> memref<1x128xi32, #tpu.memory_space<vmem>>
      %dma_wait3A_24 = tpu.memref_squeeze %dma_wait3A_23 : memref<1x128xi32, #tpu.memory_space<vmem>> -> memref<128xi32, #tpu.memory_space<vmem>>
      %dma_wait3A_25 = arith.constant 0 : i32
      %dma_wait3A_26 = arith.constant 0 : i32
      %dma_wait3A_27 = tpu.memref_slice %arg2[%dma_wait3A_25, %dma_wait3A_26] : memref<10000x128xf32, #tpu.memory_space<hbm>> -> memref<10000x128xf32, #tpu.memory_space<hbm>>
      tpu.wait_indirect_dma semaphore(%arg11 : memref<!tpu.dma_semaphore, #tpu.memory_space<semaphore_mem>>) src(%dma_wait3A_27 : memref<10000x128xf32, #tpu.memory_space<hbm>>) dst(%arg9 : memref<128x128xf32, #tpu.memory_space<vmem>>)
      %broadcast_in_dim3A = vector.broadcast %scan3A_17 : i32 to vector<16xi32>
      %scan3A_28 = arith.constant 0 : i32
      %scan3A_29 = arith.constant 0 : i32
      %scan3A_30 = arith.constant 32 : i32
      %scan3A_31 = arith.addi %scan3A_29, %scan3A_30 : i32
      %scan3A_32 = arith.constant 1 : i32
      scf.for %scan3A_34 = %scan3A_29 to %scan3A_31 step %scan3A_32  : i32 {
        %mul3A_35 = arith.constant 4 : i32
        %mul3A_36 = arith.muli %scan3A_34, %mul3A_35 : i32
        %add3A_37 = arith.constant 0 : i32
        %add3A_38 = arith.addi %mul3A_36, %add3A_37 : i32
        %broadcast_in_dim3A_39 = vector.broadcast %add3A_38 : i32 to vector<16xi32>
        %gather3A = tpu.vector_load_idx %arg8[%broadcast_in_dim3A, %broadcast_in_dim3A_39] : memref<79x128xi32, #tpu.memory_space<vmem>>[vector<16xi32>, vector<16xi32>], vector<16xi32>,
        %bitcast3A = vector.bitcast %gather3A : vector<16xi32> to vector<16xf32>
        %get3A = arith.index_cast %add3A_38 : i32 to index
        %get3A_40 = arith.constant 0 : index
        %get3A_41 = tpu.vector_load %arg9[%get3A, %get3A_40] {strides = array<i32>} : memref<128x128xf32, #tpu.memory_space<vmem>>, vector<16xf32>,
        %mul3A_42 = arith.mulf %get3A_41, %bitcast3A : vector<16xf32>
        %swap3A = arith.index_cast %add3A_38 : i32 to index
        %swap3A_43 = arith.constant 0 : index
        %swap3A_44 = tpu.vector_load %arg9[%swap3A, %swap3A_43] {strides = array<i32>} : memref<128x128xf32, #tpu.memory_space<vmem>>, vector<16xf32>,
        tpu.vector_store %arg9[%swap3A, %swap3A_43], %mul3A_42 {strides = array<i32>} : memref<128x128xf32, #tpu.memory_space<vmem>>, vector<16xf32>,
        %get3A_45 = arith.index_cast %add3A_38 : i32 to index
        %get3A_46 = arith.constant 16 : index
        %get3A_47 = tpu.vector_load %arg9[%get3A_45, %get3A_46] {strides = array<i32>} : memref<128x128xf32, #tpu.memory_space<vmem>>, vector<16xf32>,
        %mul3A_48 = arith.mulf %get3A_47, %bitcast3A : vector<16xf32>
        %swap3A_49 = arith.index_cast %add3A_38 : i32 to index
        %swap3A_50 = arith.constant 16 : index
        %swap3A_51 = tpu.vector_load %arg9[%swap3A_49, %swap3A_50] {strides = array<i32>} : memref<128x128xf32, #tpu.memory_space<vmem>>, vector<16xf32>,
        tpu.vector_store %arg9[%swap3A_49, %swap3A_50], %mul3A_48 {strides = array<i32>} : memref<128x128xf32, #tpu.memory_space<vmem>>, vector<16xf32>,
        %get3A_52 = arith.index_cast %add3A_38 : i32 to index
        %get3A_53 = arith.constant 32 : index
        %get3A_54 = tpu.vector_load %arg9[%get3A_52, %get3A_53] {strides = array<i32>} : memref<128x128xf32, #tpu.memory_space<vmem>>, vector<16xf32>,
        %mul3A_55 = arith.mulf %get3A_54, %bitcast3A : vector<16xf32>
        %swap3A_56 = arith.index_cast %add3A_38 : i32 to index
        %swap3A_57 = arith.constant 32 : index
        %swap3A_58 = tpu.vector_load %arg9[%swap3A_56, %swap3A_57] {strides = array<i32>} : memref<128x128xf32, #tpu.memory_space<vmem>>, vector<16xf32>,
        tpu.vector_store %arg9[%swap3A_56, %swap3A_57], %mul3A_55 {strides = array<i32>} : memref<128x128xf32, #tpu.memory_space<vmem>>, vector<16xf32>,
        %get3A_59 = arith.index_cast %add3A_38 : i32 to index
        %get3A_60 = arith.constant 48 : index
        %get3A_61 = tpu.vector_load %arg9[%get3A_59, %get3A_60] {strides = array<i32>} : memref<128x128xf32, #tpu.memory_space<vmem>>, vector<16xf32>,
        %mul3A_62 = arith.mulf %get3A_61, %bitcast3A : vector<16xf32>
        %swap3A_63 = arith.index_cast %add3A_38 : i32 to index
        %swap3A_64 = arith.constant 48 : index
        %swap3A_65 = tpu.vector_load %arg9[%swap3A_63, %swap3A_64] {strides = array<i32>} : memref<128x128xf32, #tpu.memory_space<vmem>>, vector<16xf32>,
        tpu.vector_store %arg9[%swap3A_63, %swap3A_64], %mul3A_62 {strides = array<i32>} : memref<128x128xf32, #tpu.memory_space<vmem>>, vector<16xf32>,
        %get3A_66 = arith.index_cast %add3A_38 : i32 to index
        %get3A_67 = arith.constant 64 : index
        %get3A_68 = tpu.vector_load %arg9[%get3A_66, %get3A_67] {strides = array<i32>} : memref<128x128xf32, #tpu.memory_space<vmem>>, vector<16xf32>,
        %mul3A_69 = arith.mulf %get3A_68, %bitcast3A : vector<16xf32>
        %swap3A_70 = arith.index_cast %add3A_38 : i32 to index
        %swap3A_71 = arith.constant 64 : index
        %swap3A_72 = tpu.vector_load %arg9[%swap3A_70, %swap3A_71] {strides = array<i32>} : memref<128x128xf32, #tpu.memory_space<vmem>>, vector<16xf32>,
        tpu.vector_store %arg9[%swap3A_70, %swap3A_71], %mul3A_69 {strides = array<i32>} : memref<128x128xf32, #tpu.memory_space<vmem>>, vector<16xf32>,
        %get3A_73 = arith.index_cast %add3A_38 : i32 to index
        %get3A_74 = arith.constant 80 : index
        %get3A_75 = tpu.vector_load %arg9[%get3A_73, %get3A_74] {strides = array<i32>} : memref<128x128xf32, #tpu.memory_space<vmem>>, vector<16xf32>,
        %mul3A_76 = arith.mulf %get3A_75, %bitcast3A : vector<16xf32>
        %swap3A_77 = arith.index_cast %add3A_38 : i32 to index
        %swap3A_78 = arith.constant 80 : index
        %swap3A_79 = tpu.vector_load %arg9[%swap3A_77, %swap3A_78] {strides = array<i32>} : memref<128x128xf32, #tpu.memory_space<vmem>>, vector<16xf32>,
        tpu.vector_store %arg9[%swap3A_77, %swap3A_78], %mul3A_76 {strides = array<i32>} : memref<128x128xf32, #tpu.memory_space<vmem>>, vector<16xf32>,
        %get3A_80 = arith.index_cast %add3A_38 : i32 to index
        %get3A_81 = arith.constant 96 : index
        %get3A_82 = tpu.vector_load %arg9[%get3A_80, %get3A_81] {strides = array<i32>} : memref<128x128xf32, #tpu.memory_space<vmem>>, vector<16xf32>,
        %mul3A_83 = arith.mulf %get3A_82, %bitcast3A : vector<16xf32>
        %swap3A_84 = arith.index_cast %add3A_38 : i32 to index
        %swap3A_85 = arith.constant 96 : index
        %swap3A_86 = tpu.vector_load %arg9[%swap3A_84, %swap3A_85] {strides = array<i32>} : memref<128x128xf32, #tpu.memory_space<vmem>>, vector<16xf32>,
        tpu.vector_store %arg9[%swap3A_84, %swap3A_85], %mul3A_83 {strides = array<i32>} : memref<128x128xf32, #tpu.memory_space<vmem>>, vector<16xf32>,
        %get3A_87 = arith.index_cast %add3A_38 : i32 to index
        %get3A_88 = arith.constant 112 : index
        %get3A_89 = tpu.vector_load %arg9[%get3A_87, %get3A_88] {strides = array<i32>} : memref<128x128xf32, #tpu.memory_space<vmem>>, vector<16xf32>,
        %mul3A_90 = arith.mulf %get3A_89, %bitcast3A : vector<16xf32>
        %swap3A_91 = arith.index_cast %add3A_38 : i32 to index
        %swap3A_92 = arith.constant 112 : index
        %swap3A_93 = tpu.vector_load %arg9[%swap3A_91, %swap3A_92] {strides = array<i32>} : memref<128x128xf32, #tpu.memory_space<vmem>>, vector<16xf32>,
        tpu.vector_store %arg9[%swap3A_91, %swap3A_92], %mul3A_90 {strides = array<i32>} : memref<128x128xf32, #tpu.memory_space<vmem>>, vector<16xf32>,
        %mul3A_94 = arith.constant 4 : i32
        %mul3A_95 = arith.muli %scan3A_34, %mul3A_94 : i32
        %add3A_96 = arith.constant 1 : i32
        %add3A_97 = arith.addi %mul3A_95, %add3A_96 : i32
        %broadcast_in_dim3A_98 = vector.broadcast %add3A_97 : i32 to vector<16xi32>
        %gather3A_99 = tpu.vector_load_idx %arg8[%broadcast_in_dim3A, %broadcast_in_dim3A_98] : memref<79x128xi32, #tpu.memory_space<vmem>>[vector<16xi32>, vector<16xi32>], vector<16xi32>,
        %bitcast3A_100 = vector.bitcast %gather3A_99 : vector<16xi32> to vector<16xf32>
        %get3A_101 = arith.index_cast %add3A_97 : i32 to index
        %get3A_102 = arith.constant 0 : index
        %get3A_103 = tpu.vector_load %arg9[%get3A_101, %get3A_102] {strides = array<i32>} : memref<128x128xf32, #tpu.memory_space<vmem>>, vector<16xf32>,
        %mul3A_104 = arith.mulf %get3A_103, %bitcast3A_100 : vector<16xf32>
        %swap3A_105 = arith.index_cast %add3A_97 : i32 to index
        %swap3A_106 = arith.constant 0 : index
        %swap3A_107 = tpu.vector_load %arg9[%swap3A_105, %swap3A_106] {strides = array<i32>} : memref<128x128xf32, #tpu.memory_space<vmem>>, vector<16xf32>,
        tpu.vector_store %arg9[%swap3A_105, %swap3A_106], %mul3A_104 {strides = array<i32>} : memref<128x128xf32, #tpu.memory_space<vmem>>, vector<16xf32>,
        %get3A_108 = arith.index_cast %add3A_97 : i32 to index
        %get3A_109 = arith.constant 16 : index
        %get3A_110 = tpu.vector_load %arg9[%get3A_108, %get3A_109] {strides = array<i32>} : memref<128x128xf32, #tpu.memory_space<vmem>>, vector<16xf32>,
        %mul3A_111 = arith.mulf %get3A_110, %bitcast3A_100 : vector<16xf32>
        %swap3A_112 = arith.index_cast %add3A_97 : i32 to index
        %swap3A_113 = arith.constant 16 : index
        %swap3A_114 = tpu.vector_load %arg9[%swap3A_112, %swap3A_113] {strides = array<i32>} : memref<128x128xf32, #tpu.memory_space<vmem>>, vector<16xf32>,
        tpu.vector_store %arg9[%swap3A_112, %swap3A_113], %mul3A_111 {strides = array<i32>} : memref<128x128xf32, #tpu.memory_space<vmem>>, vector<16xf32>,
        %get3A_115 = arith.index_cast %add3A_97 : i32 to index
        %get3A_116 = arith.constant 32 : index
        %get3A_117 = tpu.vector_load %arg9[%get3A_115, %get3A_116] {strides = array<i32>} : memref<128x128xf32, #tpu.memory_space<vmem>>, vector<16xf32>,
        %mul3A_118 = arith.mulf %get3A_117, %bitcast3A_100 : vector<16xf32>
        %swap3A_119 = arith.index_cast %add3A_97 : i32 to index
        %swap3A_120 = arith.constant 32 : index
        %swap3A_121 = tpu.vector_load %arg9[%swap3A_119, %swap3A_120] {strides = array<i32>} : memref<128x128xf32, #tpu.memory_space<vmem>>, vector<16xf32>,
        tpu.vector_store %arg9[%swap3A_119, %swap3A_120], %mul3A_118 {strides = array<i32>} : memref<128x128xf32, #tpu.memory_space<vmem>>, vector<16xf32>,
        %get3A_122 = arith.index_cast %add3A_97 : i32 to index
        %get3A_123 = arith.constant 48 : index
        %get3A_124 = tpu.vector_load %arg9[%get3A_122, %get3A_123] {strides = array<i32>} : memref<128x128xf32, #tpu.memory_space<vmem>>, vector<16xf32>,
        %mul3A_125 = arith.mulf %get3A_124, %bitcast3A_100 : vector<16xf32>
        %swap3A_126 = arith.index_cast %add3A_97 : i32 to index
        %swap3A_127 = arith.constant 48 : index
        %swap3A_128 = tpu.vector_load %arg9[%swap3A_126, %swap3A_127] {strides = array<i32>} : memref<128x128xf32, #tpu.memory_space<vmem>>, vector<16xf32>,
        tpu.vector_store %arg9[%swap3A_126, %swap3A_127], %mul3A_125 {strides = array<i32>} : memref<128x128xf32, #tpu.memory_space<vmem>>, vector<16xf32>,
        %get3A_129 = arith.index_cast %add3A_97 : i32 to index
        %get3A_130 = arith.constant 64 : index
        %get3A_131 = tpu.vector_load %arg9[%get3A_129, %get3A_130] {strides = array<i32>} : memref<128x128xf32, #tpu.memory_space<vmem>>, vector<16xf32>,
        %mul3A_132 = arith.mulf %get3A_131, %bitcast3A_100 : vector<16xf32>
        %swap3A_133 = arith.index_cast %add3A_97 : i32 to index
        %swap3A_134 = arith.constant 64 : index
        %swap3A_135 = tpu.vector_load %arg9[%swap3A_133, %swap3A_134] {strides = array<i32>} : memref<128x128xf32, #tpu.memory_space<vmem>>, vector<16xf32>,
        tpu.vector_store %arg9[%swap3A_133, %swap3A_134], %mul3A_132 {strides = array<i32>} : memref<128x128xf32, #tpu.memory_space<vmem>>, vector<16xf32>,
        %get3A_136 = arith.index_cast %add3A_97 : i32 to index
        %get3A_137 = arith.constant 80 : index
        %get3A_138 = tpu.vector_load %arg9[%get3A_136, %get3A_137] {strides = array<i32>} : memref<128x128xf32, #tpu.memory_space<vmem>>, vector<16xf32>,
        %mul3A_139 = arith.mulf %get3A_138, %bitcast3A_100 : vector<16xf32>
        %swap3A_140 = arith.index_cast %add3A_97 : i32 to index
        %swap3A_141 = arith.constant 80 : index
        %swap3A_142 = tpu.vector_load %arg9[%swap3A_140, %swap3A_141] {strides = array<i32>} : memref<128x128xf32, #tpu.memory_space<vmem>>, vector<16xf32>,
        tpu.vector_store %arg9[%swap3A_140, %swap3A_141], %mul3A_139 {strides = array<i32>} : memref<128x128xf32, #tpu.memory_space<vmem>>, vector<16xf32>,
        %get3A_143 = arith.index_cast %add3A_97 : i32 to index
        %get3A_144 = arith.constant 96 : index
        %get3A_145 = tpu.vector_load %arg9[%get3A_143, %get3A_144] {strides = array<i32>} : memref<128x128xf32, #tpu.memory_space<vmem>>, vector<16xf32>,
        %mul3A_146 = arith.mulf %get3A_145, %bitcast3A_100 : vector<16xf32>
        %swap3A_147 = arith.index_cast %add3A_97 : i32 to index
        %swap3A_148 = arith.constant 96 : index
        %swap3A_149 = tpu.vector_load %arg9[%swap3A_147, %swap3A_148] {strides = array<i32>} : memref<128x128xf32, #tpu.memory_space<vmem>>, vector<16xf32>,
        tpu.vector_store %arg9[%swap3A_147, %swap3A_148], %mul3A_146 {strides = array<i32>} : memref<128x128xf32, #tpu.memory_space<vmem>>, vector<16xf32>,
        %get3A_150 = arith.index_cast %add3A_97 : i32 to index
        %get3A_151 = arith.constant 112 : index
        %get3A_152 = tpu.vector_load %arg9[%get3A_150, %get3A_151] {strides = array<i32>} : memref<128x128xf32, #tpu.memory_space<vmem>>, vector<16xf32>,
        %mul3A_153 = arith.mulf %get3A_152, %bitcast3A_100 : vector<16xf32>
        %swap3A_154 = arith.index_cast %add3A_97 : i32 to index
        %swap3A_155 = arith.constant 112 : index
        %swap3A_156 = tpu.vector_load %arg9[%swap3A_154, %swap3A_155] {strides = array<i32>} : memref<128x128xf32, #tpu.memory_space<vmem>>, vector<16xf32>,
        tpu.vector_store %arg9[%swap3A_154, %swap3A_155], %mul3A_153 {strides = array<i32>} : memref<128x128xf32, #tpu.memory_space<vmem>>, vector<16xf32>,
        %mul3A_157 = arith.constant 4 : i32
        %mul3A_158 = arith.muli %scan3A_34, %mul3A_157 : i32
        %add3A_159 = arith.constant 2 : i32
        %add3A_160 = arith.addi %mul3A_158, %add3A_159 : i32
        %broadcast_in_dim3A_161 = vector.broadcast %add3A_160 : i32 to vector<16xi32>
        %gather3A_162 = tpu.vector_load_idx %arg8[%broadcast_in_dim3A, %broadcast_in_dim3A_161] : memref<79x128xi32, #tpu.memory_space<vmem>>[vector<16xi32>, vector<16xi32>], vector<16xi32>,
        %bitcast3A_163 = vector.bitcast %gather3A_162 : vector<16xi32> to vector<16xf32>
        %get3A_164 = arith.index_cast %add3A_160 : i32 to index
        %get3A_165 = arith.constant 0 : index
        %get3A_166 = tpu.vector_load %arg9[%get3A_164, %get3A_165] {strides = array<i32>} : memref<128x128xf32, #tpu.memory_space<vmem>>, vector<16xf32>,
        %mul3A_167 = arith.mulf %get3A_166, %bitcast3A_163 : vector<16xf32>
        %swap3A_168 = arith.index_cast %add3A_160 : i32 to index
        %swap3A_169 = arith.constant 0 : index
        %swap3A_170 = tpu.vector_load %arg9[%swap3A_168, %swap3A_169] {strides = array<i32>} : memref<128x128xf32, #tpu.memory_space<vmem>>, vector<16xf32>,
        tpu.vector_store %arg9[%swap3A_168, %swap3A_169], %mul3A_167 {strides = array<i32>} : memref<128x128xf32, #tpu.memory_space<vmem>>, vector<16xf32>,
        %get3A_171 = arith.index_cast %add3A_160 : i32 to index
        %get3A_172 = arith.constant 16 : index
        %get3A_173 = tpu.vector_load %arg9[%get3A_171, %get3A_172] {strides = array<i32>} : memref<128x128xf32, #tpu.memory_space<vmem>>, vector<16xf32>,
        %mul3A_174 = arith.mulf %get3A_173, %bitcast3A_163 : vector<16xf32>
        %swap3A_175 = arith.index_cast %add3A_160 : i32 to index
        %swap3A_176 = arith.constant 16 : index
        %swap3A_177 = tpu.vector_load %arg9[%swap3A_175, %swap3A_176] {strides = array<i32>} : memref<128x128xf32, #tpu.memory_space<vmem>>, vector<16xf32>,
        tpu.vector_store %arg9[%swap3A_175, %swap3A_176], %mul3A_174 {strides = array<i32>} : memref<128x128xf32, #tpu.memory_space<vmem>>, vector<16xf32>,
        %get3A_178 = arith.index_cast %add3A_160 : i32 to index
        %get3A_179 = arith.constant 32 : index
        %get3A_180 = tpu.vector_load %arg9[%get3A_178, %get3A_179] {strides = array<i32>} : memref<128x128xf32, #tpu.memory_space<vmem>>, vector<16xf32>,
        %mul3A_181 = arith.mulf %get3A_180, %bitcast3A_163 : vector<16xf32>
        %swap3A_182 = arith.index_cast %add3A_160 : i32 to index
        %swap3A_183 = arith.constant 32 : index
        %swap3A_184 = tpu.vector_load %arg9[%swap3A_182, %swap3A_183] {strides = array<i32>} : memref<128x128xf32, #tpu.memory_space<vmem>>, vector<16xf32>,
        tpu.vector_store %arg9[%swap3A_182, %swap3A_183], %mul3A_181 {strides = array<i32>} : memref<128x128xf32, #tpu.memory_space<vmem>>, vector<16xf32>,
        %get3A_185 = arith.index_cast %add3A_160 : i32 to index
        %get3A_186 = arith.constant 48 : index
        %get3A_187 = tpu.vector_load %arg9[%get3A_185, %get3A_186] {strides = array<i32>} : memref<128x128xf32, #tpu.memory_space<vmem>>, vector<16xf32>,
        %mul3A_188 = arith.mulf %get3A_187, %bitcast3A_163 : vector<16xf32>
        %swap3A_189 = arith.index_cast %add3A_160 : i32 to index
        %swap3A_190 = arith.constant 48 : index
        %swap3A_191 = tpu.vector_load %arg9[%swap3A_189, %swap3A_190] {strides = array<i32>} : memref<128x128xf32, #tpu.memory_space<vmem>>, vector<16xf32>,
        tpu.vector_store %arg9[%swap3A_189, %swap3A_190], %mul3A_188 {strides = array<i32>} : memref<128x128xf32, #tpu.memory_space<vmem>>, vector<16xf32>,
        %get3A_192 = arith.index_cast %add3A_160 : i32 to index
        %get3A_193 = arith.constant 64 : index
        %get3A_194 = tpu.vector_load %arg9[%get3A_192, %get3A_193] {strides = array<i32>} : memref<128x128xf32, #tpu.memory_space<vmem>>, vector<16xf32>,
        %mul3A_195 = arith.mulf %get3A_194, %bitcast3A_163 : vector<16xf32>
        %swap3A_196 = arith.index_cast %add3A_160 : i32 to index
        %swap3A_197 = arith.constant 64 : index
        %swap3A_198 = tpu.vector_load %arg9[%swap3A_196, %swap3A_197] {strides = array<i32>} : memref<128x128xf32, #tpu.memory_space<vmem>>, vector<16xf32>,
        tpu.vector_store %arg9[%swap3A_196, %swap3A_197], %mul3A_195 {strides = array<i32>} : memref<128x128xf32, #tpu.memory_space<vmem>>, vector<16xf32>,
        %get3A_199 = arith.index_cast %add3A_160 : i32 to index
        %get3A_200 = arith.constant 80 : index
        %get3A_201 = tpu.vector_load %arg9[%get3A_199, %get3A_200] {strides = array<i32>} : memref<128x128xf32, #tpu.memory_space<vmem>>, vector<16xf32>,
        %mul3A_202 = arith.mulf %get3A_201, %bitcast3A_163 : vector<16xf32>
        %swap3A_203 = arith.index_cast %add3A_160 : i32 to index
        %swap3A_204 = arith.constant 80 : index
        %swap3A_205 = tpu.vector_load %arg9[%swap3A_203, %swap3A_204] {strides = array<i32>} : memref<128x128xf32, #tpu.memory_space<vmem>>, vector<16xf32>,
        tpu.vector_store %arg9[%swap3A_203, %swap3A_204], %mul3A_202 {strides = array<i32>} : memref<128x128xf32, #tpu.memory_space<vmem>>, vector<16xf32>,
        %get3A_206 = arith.index_cast %add3A_160 : i32 to index
        %get3A_207 = arith.constant 96 : index
        %get3A_208 = tpu.vector_load %arg9[%get3A_206, %get3A_207] {strides = array<i32>} : memref<128x128xf32, #tpu.memory_space<vmem>>, vector<16xf32>,
        %mul3A_209 = arith.mulf %get3A_208, %bitcast3A_163 : vector<16xf32>
        %swap3A_210 = arith.index_cast %add3A_160 : i32 to index
        %swap3A_211 = arith.constant 96 : index
        %swap3A_212 = tpu.vector_load %arg9[%swap3A_210, %swap3A_211] {strides = array<i32>} : memref<128x128xf32, #tpu.memory_space<vmem>>, vector<16xf32>,
        tpu.vector_store %arg9[%swap3A_210, %swap3A_211], %mul3A_209 {strides = array<i32>} : memref<128x128xf32, #tpu.memory_space<vmem>>, vector<16xf32>,
        %get3A_213 = arith.index_cast %add3A_160 : i32 to index
        %get3A_214 = arith.constant 112 : index
        %get3A_215 = tpu.vector_load %arg9[%get3A_213, %get3A_214] {strides = array<i32>} : memref<128x128xf32, #tpu.memory_space<vmem>>, vector<16xf32>,
        %mul3A_216 = arith.mulf %get3A_215, %bitcast3A_163 : vector<16xf32>
        %swap3A_217 = arith.index_cast %add3A_160 : i32 to index
        %swap3A_218 = arith.constant 112 : index
        %swap3A_219 = tpu.vector_load %arg9[%swap3A_217, %swap3A_218] {strides = array<i32>} : memref<128x128xf32, #tpu.memory_space<vmem>>, vector<16xf32>,
        tpu.vector_store %arg9[%swap3A_217, %swap3A_218], %mul3A_216 {strides = array<i32>} : memref<128x128xf32, #tpu.memory_space<vmem>>, vector<16xf32>,
        %mul3A_220 = arith.constant 4 : i32
        %mul3A_221 = arith.muli %scan3A_34, %mul3A_220 : i32
        %add3A_222 = arith.constant 3 : i32
        %add3A_223 = arith.addi %mul3A_221, %add3A_222 : i32
        %broadcast_in_dim3A_224 = vector.broadcast %add3A_223 : i32 to vector<16xi32>
        %gather3A_225 = tpu.vector_load_idx %arg8[%broadcast_in_dim3A, %broadcast_in_dim3A_224] : memref<79x128xi32, #tpu.memory_space<vmem>>[vector<16xi32>, vector<16xi32>], vector<16xi32>,
        %bitcast3A_226 = vector.bitcast %gather3A_225 : vector<16xi32> to vector<16xf32>
        %get3A_227 = arith.index_cast %add3A_223 : i32 to index
        %get3A_228 = arith.constant 0 : index
        %get3A_229 = tpu.vector_load %arg9[%get3A_227, %get3A_228] {strides = array<i32>} : memref<128x128xf32, #tpu.memory_space<vmem>>, vector<16xf32>,
        %mul3A_230 = arith.mulf %get3A_229, %bitcast3A_226 : vector<16xf32>
        %swap3A_231 = arith.index_cast %add3A_223 : i32 to index
        %swap3A_232 = arith.constant 0 : index
        %swap3A_233 = tpu.vector_load %arg9[%swap3A_231, %swap3A_232] {strides = array<i32>} : memref<128x128xf32, #tpu.memory_space<vmem>>, vector<16xf32>,
        tpu.vector_store %arg9[%swap3A_231, %swap3A_232], %mul3A_230 {strides = array<i32>} : memref<128x128xf32, #tpu.memory_space<vmem>>, vector<16xf32>,
        %get3A_234 = arith.index_cast %add3A_223 : i32 to index
        %get3A_235 = arith.constant 16 : index
        %get3A_236 = tpu.vector_load %arg9[%get3A_234, %get3A_235] {strides = array<i32>} : memref<128x128xf32, #tpu.memory_space<vmem>>, vector<16xf32>,
        %mul3A_237 = arith.mulf %get3A_236, %bitcast3A_226 : vector<16xf32>
        %swap3A_238 = arith.index_cast %add3A_223 : i32 to index
        %swap3A_239 = arith.constant 16 : index
        %swap3A_240 = tpu.vector_load %arg9[%swap3A_238, %swap3A_239] {strides = array<i32>} : memref<128x128xf32, #tpu.memory_space<vmem>>, vector<16xf32>,
        tpu.vector_store %arg9[%swap3A_238, %swap3A_239], %mul3A_237 {strides = array<i32>} : memref<128x128xf32, #tpu.memory_space<vmem>>, vector<16xf32>,
        %get3A_241 = arith.index_cast %add3A_223 : i32 to index
        %get3A_242 = arith.constant 32 : index
        %get3A_243 = tpu.vector_load %arg9[%get3A_241, %get3A_242] {strides = array<i32>} : memref<128x128xf32, #tpu.memory_space<vmem>>, vector<16xf32>,
        %mul3A_244 = arith.mulf %get3A_243, %bitcast3A_226 : vector<16xf32>
        %swap3A_245 = arith.index_cast %add3A_223 : i32 to index
        %swap3A_246 = arith.constant 32 : index
        %swap3A_247 = tpu.vector_load %arg9[%swap3A_245, %swap3A_246] {strides = array<i32>} : memref<128x128xf32, #tpu.memory_space<vmem>>, vector<16xf32>,
        tpu.vector_store %arg9[%swap3A_245, %swap3A_246], %mul3A_244 {strides = array<i32>} : memref<128x128xf32, #tpu.memory_space<vmem>>, vector<16xf32>,
        %get3A_248 = arith.index_cast %add3A_223 : i32 to index
        %get3A_249 = arith.constant 48 : index
        %get3A_250 = tpu.vector_load %arg9[%get3A_248, %get3A_249] {strides = array<i32>} : memref<128x128xf32, #tpu.memory_space<vmem>>, vector<16xf32>,
        %mul3A_251 = arith.mulf %get3A_250, %bitcast3A_226 : vector<16xf32>
        %swap3A_252 = arith.index_cast %add3A_223 : i32 to index
        %swap3A_253 = arith.constant 48 : index
        %swap3A_254 = tpu.vector_load %arg9[%swap3A_252, %swap3A_253] {strides = array<i32>} : memref<128x128xf32, #tpu.memory_space<vmem>>, vector<16xf32>,
        tpu.vector_store %arg9[%swap3A_252, %swap3A_253], %mul3A_251 {strides = array<i32>} : memref<128x128xf32, #tpu.memory_space<vmem>>, vector<16xf32>,
        %get3A_255 = arith.index_cast %add3A_223 : i32 to index
        %get3A_256 = arith.constant 64 : index
        %get3A_257 = tpu.vector_load %arg9[%get3A_255, %get3A_256] {strides = array<i32>} : memref<128x128xf32, #tpu.memory_space<vmem>>, vector<16xf32>,
        %mul3A_258 = arith.mulf %get3A_257, %bitcast3A_226 : vector<16xf32>
        %swap3A_259 = arith.index_cast %add3A_223 : i32 to index
        %swap3A_260 = arith.constant 64 : index
        %swap3A_261 = tpu.vector_load %arg9[%swap3A_259, %swap3A_260] {strides = array<i32>} : memref<128x128xf32, #tpu.memory_space<vmem>>, vector<16xf32>,
        tpu.vector_store %arg9[%swap3A_259, %swap3A_260], %mul3A_258 {strides = array<i32>} : memref<128x128xf32, #tpu.memory_space<vmem>>, vector<16xf32>,
        %get3A_262 = arith.index_cast %add3A_223 : i32 to index
        %get3A_263 = arith.constant 80 : index
        %get3A_264 = tpu.vector_load %arg9[%get3A_262, %get3A_263] {strides = array<i32>} : memref<128x128xf32, #tpu.memory_space<vmem>>, vector<16xf32>,
        %mul3A_265 = arith.mulf %get3A_264, %bitcast3A_226 : vector<16xf32>
        %swap3A_266 = arith.index_cast %add3A_223 : i32 to index
        %swap3A_267 = arith.constant 80 : index
        %swap3A_268 = tpu.vector_load %arg9[%swap3A_266, %swap3A_267] {strides = array<i32>} : memref<128x128xf32, #tpu.memory_space<vmem>>, vector<16xf32>,
        tpu.vector_store %arg9[%swap3A_266, %swap3A_267], %mul3A_265 {strides = array<i32>} : memref<128x128xf32, #tpu.memory_space<vmem>>, vector<16xf32>,
        %get3A_269 = arith.index_cast %add3A_223 : i32 to index
        %get3A_270 = arith.constant 96 : index
        %get3A_271 = tpu.vector_load %arg9[%get3A_269, %get3A_270] {strides = array<i32>} : memref<128x128xf32, #tpu.memory_space<vmem>>, vector<16xf32>,
        %mul3A_272 = arith.mulf %get3A_271, %bitcast3A_226 : vector<16xf32>
        %swap3A_273 = arith.index_cast %add3A_223 : i32 to index
        %swap3A_274 = arith.constant 96 : index
        %swap3A_275 = tpu.vector_load %arg9[%swap3A_273, %swap3A_274] {strides = array<i32>} : memref<128x128xf32, #tpu.memory_space<vmem>>, vector<16xf32>,
        tpu.vector_store %arg9[%swap3A_273, %swap3A_274], %mul3A_272 {strides = array<i32>} : memref<128x128xf32, #tpu.memory_space<vmem>>, vector<16xf32>,
        %get3A_276 = arith.index_cast %add3A_223 : i32 to index
        %get3A_277 = arith.constant 112 : index
        %get3A_278 = tpu.vector_load %arg9[%get3A_276, %get3A_277] {strides = array<i32>} : memref<128x128xf32, #tpu.memory_space<vmem>>, vector<16xf32>,
        %mul3A_279 = arith.mulf %get3A_278, %bitcast3A_226 : vector<16xf32>
        %swap3A_280 = arith.index_cast %add3A_223 : i32 to index
        %swap3A_281 = arith.constant 112 : index
        %swap3A_282 = tpu.vector_load %arg9[%swap3A_280, %swap3A_281] {strides = array<i32>} : memref<128x128xf32, #tpu.memory_space<vmem>>, vector<16xf32>,
        tpu.vector_store %arg9[%swap3A_280, %swap3A_281], %mul3A_279 {strides = array<i32>} : memref<128x128xf32, #tpu.memory_space<vmem>>, vector<16xf32>,
      }
      %scan3A_33 = arith.constant 32 : i32
      "tpu.region"() ({
        %run_scoped3A_34 = tpu.sem_alloc : memref<!tpu.dma_semaphore, #tpu.memory_space<semaphore_mem>>
        %dma_start3A_35 = arith.constant 0 : i32
        %dma_start3A_36 = tpu.memref_slice %arg7[%scan3A_17, %dma_start3A_35] : memref<79x128xi32, #tpu.memory_space<vmem>> -> memref<1x128xi32, #tpu.memory_space<vmem>>
        %dma_start3A_37 = tpu.memref_squeeze %dma_start3A_36 : memref<1x128xi32, #tpu.memory_space<vmem>> -> memref<128xi32, #tpu.memory_space<vmem>>
        %dma_start3A_38 = arith.constant 0 : i32
        %dma_start3A_39 = arith.constant 0 : i32
        %dma_start3A_40 = tpu.memref_slice %arg10[%dma_start3A_38, %dma_start3A_39] : memref<10112x128xf32, #tpu.memory_space<vmem_shared>> -> memref<10112x128xf32, #tpu.memory_space<vmem_shared>>
        tpu.enqueue_indirect_dma source(%arg9 : memref<128x128xf32, #tpu.memory_space<vmem>>) target(%dma_start3A_40 : memref<10112x128xf32, #tpu.memory_space<vmem_shared>>) offsets(%dma_start3A_37 : memref<128xi32, #tpu.memory_space<vmem>>) semaphore(%run_scoped3A_34 : memref<!tpu.dma_semaphore, #tpu.memory_space<semaphore_mem>>) {add = true}
        %dma_wait3A_41 = arith.constant 0 : i32
        %dma_wait3A_42 = tpu.memref_slice %arg7[%scan3A_17, %dma_wait3A_41] : memref<79x128xi32, #tpu.memory_space<vmem>> -> memref<1x128xi32, #tpu.memory_space<vmem>>
        %dma_wait3A_43 = tpu.memref_squeeze %dma_wait3A_42 : memref<1x128xi32, #tpu.memory_space<vmem>> -> memref<128xi32, #tpu.memory_space<vmem>>
        %dma_wait3A_44 = arith.constant 0 : i32
        %dma_wait3A_45 = arith.constant 0 : i32
        %dma_wait3A_46 = tpu.memref_slice %arg10[%dma_wait3A_44, %dma_wait3A_45] : memref<10112x128xf32, #tpu.memory_space<vmem_shared>> -> memref<10112x128xf32, #tpu.memory_space<vmem_shared>>
        tpu.wait_indirect_dma semaphore(%run_scoped3A_34 : memref<!tpu.dma_semaphore, #tpu.memory_space<semaphore_mem>>) src(%arg9 : memref<128x128xf32, #tpu.memory_space<vmem>>) dst(%dma_wait3A_46 : memref<10112x128xf32, #tpu.memory_space<vmem_shared>>)
        tpu.yield
      }) : () -> ()
    }
    %scan3A_11 = arith.constant 79 : i32
    %barrier3A_12 = arith.constant 0 : index
    tpu.barrier barrier_id(%barrier3A_12)
    %mul3A_13 = arith.constant 632 : i32
    %mul3A_14 = arith.muli %arg1, %mul3A_13 : i32
    %mul3A_15 = arith.constant 632 : i32
    %mul3A_16 = arith.muli %arg1, %mul3A_15 : i32
    "tpu.region"() ({
      %run_scoped3A_17 = tpu.sem_alloc : memref<!tpu.dma_semaphore, #tpu.memory_space<semaphore_mem>>
      %dma_start3A = arith.constant 0 : i32
      %dma_start3A_18 = tpu.memref_slice %arg5[%arg0, %mul3A_16, %dma_start3A] : memref<2x10112x128xf32, #tpu.memory_space<hbm>> -> memref<1x632x128xf32, #tpu.memory_space<hbm>>
      %dma_start3A_19 = tpu.memref_squeeze %dma_start3A_18 : memref<1x632x128xf32, #tpu.memory_space<hbm>> -> memref<632x128xf32, #tpu.memory_space<hbm>>
      %dma_start3A_20 = arith.constant 0 : i32
      %dma_start3A_21 = tpu.memref_slice %arg10[%mul3A_14, %dma_start3A_20] : memref<10112x128xf32, #tpu.memory_space<vmem_shared>> -> memref<632x128xf32, #tpu.memory_space<vmem_shared>>
      tpu.enqueue_dma source(%dma_start3A_21 : memref<632x128xf32, #tpu.memory_space<vmem_shared>>) target(%dma_start3A_19 : memref<632x128xf32, #tpu.memory_space<hbm>>) target_semaphore(%run_scoped3A_17 : memref<!tpu.dma_semaphore, #tpu.memory_space<semaphore_mem>>)
      %dma_wait3A = arith.constant 0 : i32
      %dma_wait3A_22 = tpu.memref_slice %arg5[%arg0, %mul3A_16, %dma_wait3A] : memref<2x10112x128xf32, #tpu.memory_space<hbm>> -> memref<1x632x128xf32, #tpu.memory_space<hbm>>
      %dma_wait3A_23 = tpu.memref_squeeze %dma_wait3A_22 : memref<1x632x128xf32, #tpu.memory_space<hbm>> -> memref<632x128xf32, #tpu.memory_space<hbm>>
      %dma_wait3A_24 = arith.constant 0 : i32
      %dma_wait3A_25 = tpu.memref_slice %arg10[%mul3A_14, %dma_wait3A_24] : memref<10112x128xf32, #tpu.memory_space<vmem_shared>> -> memref<632x128xf32, #tpu.memory_space<vmem_shared>>
      tpu.wait_dma2 semaphore(%run_scoped3A_17 : memref<!tpu.dma_semaphore, #tpu.memory_space<semaphore_mem>>) src(%dma_wait3A_25 : memref<632x128xf32, #tpu.memory_space<vmem_shared>>) dst(%dma_wait3A_23 : memref<632x128xf32, #tpu.memory_space<hbm>>)
      tpu.yield
    }) : () -> ()
    return
  }
}

module attributes {stable_mosaic.version = 14 : i64} {
  func.func @_msg_body(%arg0: i32, %arg1: memref<1000x128xf32, #tpu.memory_space<vmem>>, %arg2: memref<128x128xf32, #tpu.memory_space<vmem>>, %arg3: memref<1x128xf32, #tpu.memory_space<vmem>>, %arg4: memref<128x128xf32, #tpu.memory_space<vmem>>, %arg5: memref<1x128xf32, #tpu.memory_space<vmem>>, %arg6: memref<1000x128xf32, #tpu.memory_space<vmem>>) attributes {dimension_semantics = [#tpu.dimension_semantics<arbitrary>], iteration_bounds = array<i64: 10>, scalar_prefetch = 0 : i64, scratch_operands = 0 : i64, tpu.core_type = #tpu.core_type<tc>, window_params = [{transform_indices = @transform_0, window_bounds = array<i64: 1000, 128>}, {pipeline_mode = #tpu.pipeline_mode<synchronous>, transform_indices = @transform_1, window_bounds = array<i64: 128, 128>}, {pipeline_mode = #tpu.pipeline_mode<synchronous>, transform_indices = @transform_2, window_bounds = array<i64: 1, 128>}, {pipeline_mode = #tpu.pipeline_mode<synchronous>, transform_indices = @transform_3, window_bounds = array<i64: 128, 128>}, {pipeline_mode = #tpu.pipeline_mode<synchronous>, transform_indices = @transform_4, window_bounds = array<i64: 1, 128>}, {transform_indices = @transform_5, window_bounds = array<i64: 1000, 128>}]} {
    %get3A = arith.constant 0 : index
    %get3A_0 = arith.constant 0 : index
    %get3A_1 = vector.load %arg1[%get3A, %get3A_0] : memref<1000x128xf32, #tpu.memory_space<vmem>>, vector<1000x128xf32>
    %get3A_2 = arith.constant 0 : index
    %get3A_3 = arith.constant 0 : index
    %get3A_4 = vector.load %arg2[%get3A_2, %get3A_3] : memref<128x128xf32, #tpu.memory_space<vmem>>, vector<128x128xf32>
    %dot_general3A = arith.constant dense<0.000000e+00> : vector<1000x128xf32>
    %dot_general3A_5 = tpu.matmul %get3A_1, %get3A_4, %dot_general3A {dimension_numbers = #tpu.dot_dimension_numbers<[1], [0], [0], [1], [0, 0, 1, 1], [], []>, transpose_lhs_hint = false} : vector<1000x128xf32>, vector<128x128xf32>, vector<1000x128xf32> -> vector<1000x128xf32>
    %get3A_6 = arith.constant 0 : index
    %get3A_7 = arith.constant 0 : index
    %get3A_8 = vector.load %arg3[%get3A_6, %get3A_7] : memref<1x128xf32, #tpu.memory_space<vmem>>, vector<1x128xf32>
    %add3A = vector.broadcast %get3A_8 : vector<1x128xf32> to vector<1000x128xf32>
    %add3A_9 = arith.addf %dot_general3A_5, %add3A : vector<1000x128xf32>
    %max3A = arith.constant 0.000000e+00 : f32
    %max3A_10 = vector.broadcast %max3A : f32 to vector<1000x128xf32>
    %max3A_11 = arith.maximumf %add3A_9, %max3A_10 : vector<1000x128xf32>
    %get3A_12 = arith.constant 0 : index
    %get3A_13 = arith.constant 0 : index
    %get3A_14 = vector.load %arg4[%get3A_12, %get3A_13] : memref<128x128xf32, #tpu.memory_space<vmem>>, vector<128x128xf32>
    %dot_general3A_15 = arith.constant dense<0.000000e+00> : vector<1000x128xf32>
    %dot_general3A_16 = tpu.matmul %max3A_11, %get3A_14, %dot_general3A_15 {dimension_numbers = #tpu.dot_dimension_numbers<[1], [0], [0], [1], [0, 0, 1, 1], [], []>, transpose_lhs_hint = false} : vector<1000x128xf32>, vector<128x128xf32>, vector<1000x128xf32> -> vector<1000x128xf32>
    %get3A_17 = arith.constant 0 : index
    %get3A_18 = arith.constant 0 : index
    %get3A_19 = vector.load %arg5[%get3A_17, %get3A_18] : memref<1x128xf32, #tpu.memory_space<vmem>>, vector<1x128xf32>
    %add3A_20 = vector.broadcast %get3A_19 : vector<1x128xf32> to vector<1000x128xf32>
    %add3A_21 = arith.addf %dot_general3A_16, %add3A_20 : vector<1000x128xf32>
    %swap3A = arith.constant 0 : index
    %swap3A_22 = arith.constant 0 : index
    %swap3A_23 = vector.load %arg6[%swap3A, %swap3A_22] : memref<1000x128xf32, #tpu.memory_space<vmem>>, vector<1000x128xf32>
    tpu.vector_store %arg6[%swap3A, %swap3A_22], %add3A_21 {strides = array<i32>} : memref<1000x128xf32, #tpu.memory_space<vmem>>, vector<1000x128xf32>,
    return
  }
  func.func @transform_0(%arg0: i32) -> (i32, i32) {
    %c0_i32 = arith.constant 0 : i32
    %c0_i32_0 = arith.constant 0 : i32
    return %arg0, %c0_i32 : i32, i32
  }
  func.func @transform_1(%arg0: i32) -> (i32, i32) {
    %c0_i32 = arith.constant 0 : i32
    %c0_i32_0 = arith.constant 0 : i32
    %c0_i32_1 = arith.constant 0 : i32
    return %c0_i32, %c0_i32_0 : i32, i32
  }
  func.func @transform_2(%arg0: i32) -> (i32, i32) {
    %c0_i32 = arith.constant 0 : i32
    %c0_i32_0 = arith.constant 0 : i32
    %c0_i32_1 = arith.constant 0 : i32
    return %c0_i32, %c0_i32_0 : i32, i32
  }
  func.func @transform_3(%arg0: i32) -> (i32, i32) {
    %c0_i32 = arith.constant 0 : i32
    %c0_i32_0 = arith.constant 0 : i32
    %c0_i32_1 = arith.constant 0 : i32
    return %c0_i32, %c0_i32_0 : i32, i32
  }
  func.func @transform_4(%arg0: i32) -> (i32, i32) {
    %c0_i32 = arith.constant 0 : i32
    %c0_i32_0 = arith.constant 0 : i32
    %c0_i32_1 = arith.constant 0 : i32
    return %c0_i32, %c0_i32_0 : i32, i32
  }
  func.func @transform_5(%arg0: i32) -> (i32, i32) {
    %c0_i32 = arith.constant 0 : i32
    %c0_i32_0 = arith.constant 0 : i32
    return %arg0, %c0_i32 : i32, i32
  }
}

module attributes {stable_mosaic.version = 14 : i64} {
  func.func @_final_body(%arg0: i32, %arg1: memref<2x1000x128xf32, #tpu.memory_space<vmem>>, %arg2: memref<2x1000x16xf32, #tpu.memory_space<vmem>>, %arg3: memref<1000x128xf32, #tpu.memory_space<vmem>>, %arg4: memref<128x128xf32, #tpu.memory_space<vmem>>, %arg5: memref<128x128xf32, #tpu.memory_space<vmem>>, %arg6: memref<1x128xf32, #tpu.memory_space<vmem>>, %arg7: memref<128x128xf32, #tpu.memory_space<vmem>>, %arg8: memref<128x128xf32, #tpu.memory_space<vmem>>, %arg9: memref<1x128xf32, #tpu.memory_space<vmem>>, %arg10: memref<128x128xf32, #tpu.memory_space<vmem>>, %arg11: memref<1x128xf32, #tpu.memory_space<vmem>>, %arg12: memref<1x128xf32, #tpu.memory_space<vmem>>, %arg13: memref<1x128xf32, #tpu.memory_space<vmem>>, %arg14: memref<1000x128xf32, #tpu.memory_space<vmem>>) attributes {dimension_semantics = [#tpu.dimension_semantics<arbitrary>], iteration_bounds = array<i64: 10>, scalar_prefetch = 0 : i64, scratch_operands = 0 : i64, tpu.core_type = #tpu.core_type<tc>, window_params = [{transform_indices = @transform_0, window_bounds = array<i64: 2, 1000, 128>}, {transform_indices = @transform_1, window_bounds = array<i64: 2, 1000, 16>}, {transform_indices = @transform_2, window_bounds = array<i64: 1000, 128>}, {pipeline_mode = #tpu.pipeline_mode<synchronous>, transform_indices = @transform_3, window_bounds = array<i64: 128, 128>}, {pipeline_mode = #tpu.pipeline_mode<synchronous>, transform_indices = @transform_4, window_bounds = array<i64: 128, 128>}, {pipeline_mode = #tpu.pipeline_mode<synchronous>, transform_indices = @transform_5, window_bounds = array<i64: 1, 128>}, {pipeline_mode = #tpu.pipeline_mode<synchronous>, transform_indices = @transform_6, window_bounds = array<i64: 128, 128>}, {pipeline_mode = #tpu.pipeline_mode<synchronous>, transform_indices = @transform_7, window_bounds = array<i64: 128, 128>}, {pipeline_mode = #tpu.pipeline_mode<synchronous>, transform_indices = @transform_8, window_bounds = array<i64: 1, 128>}, {pipeline_mode = #tpu.pipeline_mode<synchronous>, transform_indices = @transform_9, window_bounds = array<i64: 128, 128>}, {pipeline_mode = #tpu.pipeline_mode<synchronous>, transform_indices = @transform_10, window_bounds = array<i64: 1, 128>}, {pipeline_mode = #tpu.pipeline_mode<synchronous>, transform_indices = @transform_11, window_bounds = array<i64: 1, 128>}, {pipeline_mode = #tpu.pipeline_mode<synchronous>, transform_indices = @transform_12, window_bounds = array<i64: 1, 128>}, {transform_indices = @transform_13, window_bounds = array<i64: 1000, 128>}]} {
    %get3A = arith.constant 0 : index
    %get3A_0 = arith.constant 0 : index
    %get3A_1 = arith.constant 0 : index
    %get3A_2 = vector.load %arg1[%get3A, %get3A_0, %get3A_1] : memref<2x1000x128xf32, #tpu.memory_space<vmem>>, vector<2x1000x128xf32>
    %get3A_3 = arith.constant 0 : index
    %get3A_4 = arith.constant 0 : index
    %get3A_5 = arith.constant 0 : index
    %get3A_6 = vector.load %arg2[%get3A_3, %get3A_4, %get3A_5] : memref<2x1000x16xf32, #tpu.memory_space<vmem>>, vector<2x1000x16xf32>
    %slice3A = vector.extract_strided_slice %get3A_6 {offsets = [0, 0, 0], sizes = [1, 1000, 16], strides = [1, 1, 1]} : vector<2x1000x16xf32> to vector<1x1000x16xf32>
    %squeeze3A = vector.shape_cast %slice3A : vector<1x1000x16xf32> to vector<1000x16xf32>
    %slice3A_7 = vector.extract_strided_slice %get3A_6 {offsets = [1, 0, 0], sizes = [1, 1000, 16], strides = [1, 1, 1]} : vector<2x1000x16xf32> to vector<1x1000x16xf32>
    %squeeze3A_8 = vector.shape_cast %slice3A_7 : vector<1x1000x16xf32> to vector<1000x16xf32>
    %add3A = arith.addf %squeeze3A, %squeeze3A_8 : vector<1000x16xf32>
    %slice3A_9 = vector.extract_strided_slice %add3A {offsets = [0, 0], sizes = [1000, 1], strides = [1, 1]} : vector<1000x16xf32> to vector<1000x1xf32>
    %max3A = arith.constant 1.000000e+00 : f32
    %max3A_10 = vector.broadcast %max3A : f32 to vector<1000x1xf32>
    %max3A_11 = arith.maximumf %slice3A_9, %max3A_10 : vector<1000x1xf32>
    %slice3A_12 = vector.extract_strided_slice %get3A_2 {offsets = [0, 0, 0], sizes = [1, 1000, 128], strides = [1, 1, 1]} : vector<2x1000x128xf32> to vector<1x1000x128xf32>
    %squeeze3A_13 = vector.shape_cast %slice3A_12 : vector<1x1000x128xf32> to vector<1000x128xf32>
    %slice3A_14 = vector.extract_strided_slice %get3A_2 {offsets = [1, 0, 0], sizes = [1, 1000, 128], strides = [1, 1, 1]} : vector<2x1000x128xf32> to vector<1x1000x128xf32>
    %squeeze3A_15 = vector.shape_cast %slice3A_14 : vector<1x1000x128xf32> to vector<1000x128xf32>
    %add3A_16 = arith.addf %squeeze3A_13, %squeeze3A_15 : vector<1000x128xf32>
    %div3A = vector.broadcast %max3A_11 : vector<1000x1xf32> to vector<1000x128xf32>
    %div3A_17 = arith.divf %add3A_16, %div3A : vector<1000x128xf32>
    %get3A_18 = arith.constant 0 : index
    %get3A_19 = arith.constant 0 : index
    %get3A_20 = vector.load %arg3[%get3A_18, %get3A_19] : memref<1000x128xf32, #tpu.memory_space<vmem>>, vector<1000x128xf32>
    %get3A_21 = arith.constant 0 : index
    %get3A_22 = arith.constant 0 : index
    %get3A_23 = vector.load %arg4[%get3A_21, %get3A_22] : memref<128x128xf32, #tpu.memory_space<vmem>>, vector<128x128xf32>
    %dot_general3A = arith.constant dense<0.000000e+00> : vector<1000x128xf32>
    %dot_general3A_24 = tpu.matmul %div3A_17, %get3A_23, %dot_general3A {dimension_numbers = #tpu.dot_dimension_numbers<[1], [0], [0], [1], [0, 0, 1, 1], [], []>, transpose_lhs_hint = false} : vector<1000x128xf32>, vector<128x128xf32>, vector<1000x128xf32> -> vector<1000x128xf32>
    %get3A_25 = arith.constant 0 : index
    %get3A_26 = arith.constant 0 : index
    %get3A_27 = vector.load %arg5[%get3A_25, %get3A_26] : memref<128x128xf32, #tpu.memory_space<vmem>>, vector<128x128xf32>
    %dot_general3A_28 = arith.constant dense<0.000000e+00> : vector<1000x128xf32>
    %dot_general3A_29 = tpu.matmul %get3A_20, %get3A_27, %dot_general3A_28 {dimension_numbers = #tpu.dot_dimension_numbers<[1], [0], [0], [1], [0, 0, 1, 1], [], []>, transpose_lhs_hint = false} : vector<1000x128xf32>, vector<128x128xf32>, vector<1000x128xf32> -> vector<1000x128xf32>
    %add3A_30 = arith.addf %dot_general3A_24, %dot_general3A_29 : vector<1000x128xf32>
    %get3A_31 = arith.constant 0 : index
    %get3A_32 = arith.constant 0 : index
    %get3A_33 = vector.load %arg6[%get3A_31, %get3A_32] : memref<1x128xf32, #tpu.memory_space<vmem>>, vector<1x128xf32>
    %add3A_34 = vector.broadcast %get3A_33 : vector<1x128xf32> to vector<1000x128xf32>
    %add3A_35 = arith.addf %add3A_30, %add3A_34 : vector<1000x128xf32>
    %logistic3A = arith.negf %add3A_35 : vector<1000x128xf32>
    %logistic3A_36 = math.exp %logistic3A : vector<1000x128xf32>
    %logistic3A_37 = arith.constant 1.000000e+00 : f32
    %logistic3A_38 = vector.broadcast %logistic3A_37 : f32 to vector<1000x128xf32>
    %logistic3A_39 = arith.addf %logistic3A_38, %logistic3A_36 : vector<1000x128xf32>
    %logistic3A_40 = arith.divf %logistic3A_38, %logistic3A_39 : vector<1000x128xf32>
    %get3A_41 = arith.constant 0 : index
    %get3A_42 = arith.constant 0 : index
    %get3A_43 = vector.load %arg7[%get3A_41, %get3A_42] : memref<128x128xf32, #tpu.memory_space<vmem>>, vector<128x128xf32>
    %dot_general3A_44 = arith.constant dense<0.000000e+00> : vector<1000x128xf32>
    %dot_general3A_45 = tpu.matmul %div3A_17, %get3A_43, %dot_general3A_44 {dimension_numbers = #tpu.dot_dimension_numbers<[1], [0], [0], [1], [0, 0, 1, 1], [], []>, transpose_lhs_hint = false} : vector<1000x128xf32>, vector<128x128xf32>, vector<1000x128xf32> -> vector<1000x128xf32>
    %get3A_46 = arith.constant 0 : index
    %get3A_47 = arith.constant 0 : index
    %get3A_48 = vector.load %arg8[%get3A_46, %get3A_47] : memref<128x128xf32, #tpu.memory_space<vmem>>, vector<128x128xf32>
    %dot_general3A_49 = arith.constant dense<0.000000e+00> : vector<1000x128xf32>
    %dot_general3A_50 = tpu.matmul %get3A_20, %get3A_48, %dot_general3A_49 {dimension_numbers = #tpu.dot_dimension_numbers<[1], [0], [0], [1], [0, 0, 1, 1], [], []>, transpose_lhs_hint = false} : vector<1000x128xf32>, vector<128x128xf32>, vector<1000x128xf32> -> vector<1000x128xf32>
    %add3A_51 = arith.addf %dot_general3A_45, %dot_general3A_50 : vector<1000x128xf32>
    %get3A_52 = arith.constant 0 : index
    %get3A_53 = arith.constant 0 : index
    %get3A_54 = vector.load %arg9[%get3A_52, %get3A_53] : memref<1x128xf32, #tpu.memory_space<vmem>>, vector<1x128xf32>
    %add3A_55 = vector.broadcast %get3A_54 : vector<1x128xf32> to vector<1000x128xf32>
    %add3A_56 = arith.addf %add3A_51, %add3A_55 : vector<1000x128xf32>
    %max3A_57 = arith.constant 0.000000e+00 : f32
    %max3A_58 = vector.broadcast %max3A_57 : f32 to vector<1000x128xf32>
    %max3A_59 = arith.maximumf %add3A_56, %max3A_58 : vector<1000x128xf32>
    %get3A_60 = arith.constant 0 : index
    %get3A_61 = arith.constant 0 : index
    %get3A_62 = vector.load %arg10[%get3A_60, %get3A_61] : memref<128x128xf32, #tpu.memory_space<vmem>>, vector<128x128xf32>
    %dot_general3A_63 = arith.constant dense<0.000000e+00> : vector<1000x128xf32>
    %dot_general3A_64 = tpu.matmul %max3A_59, %get3A_62, %dot_general3A_63 {dimension_numbers = #tpu.dot_dimension_numbers<[1], [0], [0], [1], [0, 0, 1, 1], [], []>, transpose_lhs_hint = false} : vector<1000x128xf32>, vector<128x128xf32>, vector<1000x128xf32> -> vector<1000x128xf32>
    %get3A_65 = arith.constant 0 : index
    %get3A_66 = arith.constant 0 : index
    %get3A_67 = vector.load %arg11[%get3A_65, %get3A_66] : memref<1x128xf32, #tpu.memory_space<vmem>>, vector<1x128xf32>
    %add3A_68 = vector.broadcast %get3A_67 : vector<1x128xf32> to vector<1000x128xf32>
    %add3A_69 = arith.addf %dot_general3A_64, %add3A_68 : vector<1000x128xf32>
    %mul3A = arith.mulf %logistic3A_40, %add3A_69 : vector<1000x128xf32>
    %sub3A = arith.constant 1.000000e+00 : f32
    %sub3A_70 = vector.broadcast %sub3A : f32 to vector<1000x128xf32>
    %sub3A_71 = arith.subf %sub3A_70, %logistic3A_40 : vector<1000x128xf32>
    %mul3A_72 = arith.mulf %sub3A_71, %get3A_20 : vector<1000x128xf32>
    %add3A_73 = arith.addf %mul3A, %mul3A_72 : vector<1000x128xf32>
    %reduce_sum3A = arith.constant dense<0.000000e+00> : vector<1000xf32>
    %reduce_sum3A_74 = vector.multi_reduction <add>, %add3A_73, %reduce_sum3A [1] : vector<1000x128xf32> to vector<1000xf32>
    %broadcast_in_dim3A = vector.shape_cast %reduce_sum3A_74 : vector<1000xf32> to vector<1000x1xf32>
    %div3A_75 = arith.constant 1.280000e+02 : f32
    %div3A_76 = vector.broadcast %div3A_75 : f32 to vector<1000x1xf32>
    %div3A_77 = arith.divf %broadcast_in_dim3A, %div3A_76 : vector<1000x1xf32>
    %sub3A_78 = vector.broadcast %div3A_77 : vector<1000x1xf32> to vector<1000x128xf32>
    %sub3A_79 = arith.subf %add3A_73, %sub3A_78 : vector<1000x128xf32>
    %integer_pow3A = arith.mulf %sub3A_79, %sub3A_79 : vector<1000x128xf32>
    %reduce_sum3A_80 = arith.constant dense<0.000000e+00> : vector<1000xf32>
    %reduce_sum3A_81 = vector.multi_reduction <add>, %integer_pow3A, %reduce_sum3A_80 [1] : vector<1000x128xf32> to vector<1000xf32>
    %broadcast_in_dim3A_82 = vector.shape_cast %reduce_sum3A_81 : vector<1000xf32> to vector<1000x1xf32>
    %div3A_83 = arith.constant 1.280000e+02 : f32
    %div3A_84 = vector.broadcast %div3A_83 : f32 to vector<1000x1xf32>
    %div3A_85 = arith.divf %broadcast_in_dim3A_82, %div3A_84 : vector<1000x1xf32>
    %sub3A_86 = vector.broadcast %div3A_77 : vector<1000x1xf32> to vector<1000x128xf32>
    %sub3A_87 = arith.subf %add3A_73, %sub3A_86 : vector<1000x128xf32>
    %add3A_88 = arith.constant 1.000000e-03 : f32
    %add3A_89 = vector.broadcast %add3A_88 : f32 to vector<1000x1xf32>
    %add3A_90 = arith.addf %div3A_85, %add3A_89 : vector<1000x1xf32>
    %sqrt3A = math.sqrt %add3A_90 : vector<1000x1xf32>
    %div3A_91 = vector.broadcast %sqrt3A : vector<1000x1xf32> to vector<1000x128xf32>
    %div3A_92 = arith.divf %sub3A_87, %div3A_91 : vector<1000x128xf32>
    %get3A_93 = arith.constant 0 : index
    %get3A_94 = arith.constant 0 : index
    %get3A_95 = vector.load %arg12[%get3A_93, %get3A_94] : memref<1x128xf32, #tpu.memory_space<vmem>>, vector<1x128xf32>
    %mul3A_96 = vector.broadcast %get3A_95 : vector<1x128xf32> to vector<1000x128xf32>
    %mul3A_97 = arith.mulf %div3A_92, %mul3A_96 : vector<1000x128xf32>
    %get3A_98 = arith.constant 0 : index
    %get3A_99 = arith.constant 0 : index
    %get3A_100 = vector.load %arg13[%get3A_98, %get3A_99] : memref<1x128xf32, #tpu.memory_space<vmem>>, vector<1x128xf32>
    %add3A_101 = vector.broadcast %get3A_100 : vector<1x128xf32> to vector<1000x128xf32>
    %add3A_102 = arith.addf %mul3A_97, %add3A_101 : vector<1000x128xf32>
    %swap3A = arith.constant 0 : index
    %swap3A_103 = arith.constant 0 : index
    %swap3A_104 = vector.load %arg14[%swap3A, %swap3A_103] : memref<1000x128xf32, #tpu.memory_space<vmem>>, vector<1000x128xf32>
    tpu.vector_store %arg14[%swap3A, %swap3A_103], %add3A_102 {strides = array<i32>} : memref<1000x128xf32, #tpu.memory_space<vmem>>, vector<1000x128xf32>,
    return
  }
  func.func @transform_0(%arg0: i32) -> (i32, i32, i32) {
    %c0_i32 = arith.constant 0 : i32
    %c0_i32_0 = arith.constant 0 : i32
    %c0_i32_1 = arith.constant 0 : i32
    return %c0_i32, %arg0, %c0_i32_0 : i32, i32, i32
  }
  func.func @transform_1(%arg0: i32) -> (i32, i32, i32) {
    %c0_i32 = arith.constant 0 : i32
    %c0_i32_0 = arith.constant 0 : i32
    %c0_i32_1 = arith.constant 0 : i32
    return %c0_i32, %arg0, %c0_i32_0 : i32, i32, i32
  }
  func.func @transform_2(%arg0: i32) -> (i32, i32) {
    %c0_i32 = arith.constant 0 : i32
    %c0_i32_0 = arith.constant 0 : i32
    return %arg0, %c0_i32 : i32, i32
  }
  func.func @transform_3(%arg0: i32) -> (i32, i32) {
    %c0_i32 = arith.constant 0 : i32
    %c0_i32_0 = arith.constant 0 : i32
    %c0_i32_1 = arith.constant 0 : i32
    return %c0_i32, %c0_i32_0 : i32, i32
  }
  func.func @transform_4(%arg0: i32) -> (i32, i32) {
    %c0_i32 = arith.constant 0 : i32
    %c0_i32_0 = arith.constant 0 : i32
    %c0_i32_1 = arith.constant 0 : i32
    return %c0_i32, %c0_i32_0 : i32, i32
  }
  func.func @transform_5(%arg0: i32) -> (i32, i32) {
    %c0_i32 = arith.constant 0 : i32
    %c0_i32_0 = arith.constant 0 : i32
    %c0_i32_1 = arith.constant 0 : i32
    return %c0_i32, %c0_i32_0 : i32, i32
  }
  func.func @transform_6(%arg0: i32) -> (i32, i32) {
    %c0_i32 = arith.constant 0 : i32
    %c0_i32_0 = arith.constant 0 : i32
    %c0_i32_1 = arith.constant 0 : i32
    return %c0_i32, %c0_i32_0 : i32, i32
  }
  func.func @transform_7(%arg0: i32) -> (i32, i32) {
    %c0_i32 = arith.constant 0 : i32
    %c0_i32_0 = arith.constant 0 : i32
    %c0_i32_1 = arith.constant 0 : i32
    return %c0_i32, %c0_i32_0 : i32, i32
  }
  func.func @transform_8(%arg0: i32) -> (i32, i32) {
    %c0_i32 = arith.constant 0 : i32
    %c0_i32_0 = arith.constant 0 : i32
    %c0_i32_1 = arith.constant 0 : i32
    return %c0_i32, %c0_i32_0 : i32, i32
  }
  func.func @transform_9(%arg0: i32) -> (i32, i32) {
    %c0_i32 = arith.constant 0 : i32
    %c0_i32_0 = arith.constant 0 : i32
    %c0_i32_1 = arith.constant 0 : i32
    return %c0_i32, %c0_i32_0 : i32, i32
  }
  func.func @transform_10(%arg0: i32) -> (i32, i32) {
    %c0_i32 = arith.constant 0 : i32
    %c0_i32_0 = arith.constant 0 : i32
    %c0_i32_1 = arith.constant 0 : i32
    return %c0_i32, %c0_i32_0 : i32, i32
  }
  func.func @transform_11(%arg0: i32) -> (i32, i32) {
    %c0_i32 = arith.constant 0 : i32
    %c0_i32_0 = arith.constant 0 : i32
    %c0_i32_1 = arith.constant 0 : i32
    return %c0_i32, %c0_i32_0 : i32, i32
  }
  func.func @transform_12(%arg0: i32) -> (i32, i32) {
    %c0_i32 = arith.constant 0 : i32
    %c0_i32_0 = arith.constant 0 : i32
    %c0_i32_1 = arith.constant 0 : i32
    return %c0_i32, %c0_i32_0 : i32, i32
  }
  func.func @transform_13(%arg0: i32) -> (i32, i32) {
    %c0_i32 = arith.constant 0 : i32
    %c0_i32_0 = arith.constant 0 : i32
    return %arg0, %c0_i32 : i32, i32
  }
}

</mosaic_0001>

<sc_bundles>
// kernel: kernel.6.cloned.1.call-start
scs
__scs_entry_jumppad:
0x0: {  	(pc) =	sbr.rel $0x88, $3  }
0x1: {  	(tag) =	ssettag $0x0;
	lr =	simm.s32 $0x1  }
0x2: {  	[smem:$0x3F91] =	sst lr;
	_ =	strace $0xD0000000  }
0x3: {  	_ = 	snop  }
0x4: {  	_ = 	snop  }
0x5: {  	_ = 	snop  }
0x6: {  	_ = 	snop  }
0x7: {  	_ = 	snop  }
__scs_overlays_trampoline_lowered:
0x8: {  	[smem:$0x3FA0] =	sst s0  }
0x9: {  	[smem:$0x3FA1] =	sst s1  }
0xa: {  	[smem:$0x3FA2] =	sst s2  }
0xb: {  	[smem:$0x3FA3] =	sst s3  }
0xc: {  	[smem:$0x3FA4] =	sst s4  }
0xd: {  	[smem:$0x3FA5] =	sst s5  }
0xe: {  	[smem:$0x3FA6] =	sst s6  }
0xf: {  	[smem:$0x3FA7] =	sst s7  }
0x10: {  	[smem:$0x3FA8] =	sst s8  }
0x11: {  	[smem:$0x3FA9] =	sst s9;
	s0 =	simm.s32 @!p0 $0x0  }
0x12: {  	s1 =	sld [smem:$0x3F8F];
	s0 =	simm.s32 @p0 $0x1  }
0x13: {  	[smem:$0x3FAA] =	sst s0;
	s0 =	simm.s32 @!p1 $0x0  }
0x14: {  	s2 =	sld [smem:$0x3F8E];
	s0 =	simm.s32 @p1 $0x1  }
0x15: {  	[smem:$0x3FAB] =	sst s0;
	s0 =	simm.s32 @!p2 $0x0  }
0x16: {  	s3 =	sld [smem:$0x3FDB];
	s0 =	simm.s32 @p2 $0x1  }
0x17: {  	s4 =	simm.s32 $0x1BF5;
	[smem:$0x3FAD] =	sst s0  }
0x18: {  	s0 =	sld [smem:$0x3F90];
	_ =	swait.ge [sflag:s4], $0x0  }
0x19: {  	s7 =	sld [smem:$0x3F91]  }
0x1a: {  	s8 =	sadd.s32 $0xFFFFE003, lr  }
0x1b: {  	s9 =	sadd.s32 $0xFFFFFEF7, lr;
	s5 =	simm.s32 $0xFFFFFFFF;
	p2 =	slt.u32 s8, $0xFFFFF086  }
0x1c: {  	p1 =	slt.u32 s9, $0xF7A;
	s5 =	simm.s32 @!p2 $0x0  }
0x1d: {  	s5 =	simm.s32 @p1 $0x1;
	p0 =	seq.s32 s7, s2  }
0x1e: {  	s7 =	smul.u32 @!p0 $0xF7A, s2;
	p2 =	seq.s32 @!p0 s5, $0x0  }
0x1f: {  	s9 =	smul.u32 $0xF7A, s1;
	s8 =	simm.s32 @!p0 $0x1BF5;
	p2 =	por !p2, p0  }
0x20: {  	[sflag:s8] =	ssyncset.s32 @!p0 $0xFFFFF086;
	s6 =	sadd.s32 @!p0 s3, s7;
	s7 =	simm.s32 @!p0 $0x108  }
0x21: {  	s3 =	sadd.s32 s3, s9;
	s6 =	sadd.s32 @!p0 $0x88, s6;
	s7 =	simm.s32 @p2 $0x1082  }
0x22: {  	[simem:s7], [sflag:s8] =	dma.local @!p0 [hbm:s6], $0xF7A  }
0x23: {  	s9 =	sor.u32 $0xD0000000, s2;
	s6 =	simm.s32 $0x108;
	_ =	swait.ge @!p0 [sflag:s8], $0x0  }
0x24: {  	s3 =	sadd.s32 $0x88, s3;
	s6 =	simm.s32 @!p1 $0x1082;
	[sflag:s4] =	ssyncset.s32 $0xFFFFF086  }
0x25: {  	[simem:s6], [sflag:s4] =	dma.local [hbm:s3], $0xF7A  }
0x26: {  	[smem:$0x3F91] =	sst s1;
	(tag) =	ssettag s2;
	_ =	strace s9  }
0x27: {  	s1 =	sld [smem:$0x3FA1]  }
0x28: {  	s2 =	sld [smem:$0x3FA2]  }
0x29: {  	s4 =	sld [smem:$0x3FA4]  }
0x2a: {  	p0 =	seq.s32 s5, $0x0;
	s5 =	sld [smem:$0x3FA5]  }
0x2b: {  	s6 =	sld [smem:$0x3FA6]  }
0x2c: {  	s7 =	sld [smem:$0x3FA7]  }
0x2d: {  	s3 =	simm.s32 $0x108;
	s8 =	sld [smem:$0x3FA8]  }
0x2e: {  	s3 =	simm.s32 @!p0 $0x1082;
	s9 =	sld [smem:$0x3FA9]  }
0x2f: {  	lr =	sadd.s32 s0, s3;
	s0 =	sld [smem:$0x3FA0]  }
0x30: {  	s3 =	sld [smem:$0x3FA3]  }
0x31: {  	[smem:$0x3FAC] =	sst s10  }
0x32: {  	s10 =	sld [smem:$0x3FAA];
	_ =	sdelay $0x3  }
0x33: {  	p0 =	seq.s32 s10, $0x1;
	s10 =	sld [smem:$0x3FAC];
	_ =	sdelay $0x3  }
0x34: {  	[smem:$0x3FAC] =	sst s10  }
0x35: {  	s10 =	sld [smem:$0x3FAB];
	_ =	sdelay $0x3  }
0x36: {  	p1 =	seq.s32 s10, $0x1;
	s10 =	sld [smem:$0x3FAC];
	_ =	sdelay $0x3  }
0x37: {  	[smem:$0x3FAC] =	sst s10  }
0x38: {  	s10 =	sld [smem:$0x3FAD]  }
0x39: {  	_ = 	snop;
	(pc) =	sbr.ind lr, $3  }
0x3a: {  	_ = 	snop  }
0x3b: {  	_ = 	snop  }
0x3c: {  	p2 =	seq.s32 s10, $0x1;
	s10 =	sld [smem:$0x3FAC]  }
0x3d: {  	_ =	shalt  }
0x3e: {  	_ =	shalt  }
0x3f: {  	_ =	shalt  }
0x40: {  	_ =	shalt  }
0x41: {  	_ =	shalt  }
0x42: {  	_ =	shalt  }
0x43: {  	_ =	shalt  }
0x44: {  	_ =	shalt  }
0x45: {  	_ =	shalt  }
0x46: {  	_ =	shalt  }
0x47: {  	_ =	shalt  }
0x48: {  	_ =	shalt  }
0x49: {  	_ =	shalt  }
0x4a: {  	_ =	shalt  }
0x4b: {  	_ =	shalt  }
0x4c: {  	_ =	shalt  }
0x4d: {  	_ =	shalt  }
0x4e: {  	_ =	shalt  }
0x4f: {  	_ =	shalt  }
0x50: {  	_ =	shalt  }
0x51: {  	_ =	shalt  }
0x52: {  	_ =	shalt  }
0x53: {  	_ =	shalt  }
0x54: {  	_ =	shalt  }
0x55: {  	_ =	shalt  }
0x56: {  	_ =	shalt  }
0x57: {  	_ =	shalt  }
0x58: {  	_ =	shalt  }
0x59: {  	_ =	shalt  }
0x5a: {  	_ =	shalt  }
0x5b: {  	_ =	shalt  }
0x5c: {  	_ =	shalt  }
0x5d: {  	_ =	shalt  }
0x5e: {  	_ =	shalt  }
0x5f: {  	_ =	shalt  }
0x60: {  	_ =	shalt  }
0x61: {  	_ =	shalt  }
0x62: {  	_ =	shalt  }
0x63: {  	_ =	shalt  }
0x64: {  	_ =	shalt  }
0x65: {  	_ =	shalt  }
0x66: {  	_ =	shalt  }
0x67: {  	_ =	shalt  }
0x68: {  	_ =	shalt  }
0x69: {  	_ =	shalt  }
0x6a: {  	_ =	shalt  }
0x6b: {  	_ =	shalt  }
0x6c: {  	_ =	shalt  }
0x6d: {  	_ =	shalt  }
0x6e: {  	_ =	shalt  }
0x6f: {  	_ =	shalt  }
0x70: {  	_ =	shalt  }
0x71: {  	_ =	shalt  }
0x72: {  	_ =	shalt  }
0x73: {  	_ =	shalt  }
0x74: {  	_ =	shalt  }
0x75: {  	_ =	shalt  }
0x76: {  	_ =	shalt  }
0x77: {  	_ =	shalt  }
0x78: {  	_ =	shalt  }
0x79: {  	_ =	shalt  }
0x7a: {  	_ =	shalt  }
0x7b: {  	_ =	shalt  }
0x7c: {  	_ =	shalt  }
0x7d: {  	_ =	shalt  }
0x7e: {  	_ =	shalt  }
0x7f: {  	_ =	shalt  }
0x80: {  	_ =	shalt  }
0x81: {  	_ =	shalt  }
0x82: {  	_ =	shalt  }
0x83: {  	_ =	shalt  }
0x84: {  	_ =	shalt  }
0x85: {  	_ =	shalt  }
0x86: {  	_ =	shalt  }
0x87: {  	_ =	shalt  }
.Lfunc_end0:
.L_simem_size_0:
called_computation_lowered:
.L_overlay_start_0:
0x88: {  	s2 =	sld [smem:$0x3FD9]  }
0x89: {  	s3 =	sld [smem:$0x3FFE];
	_ =	sdelay $0x1  }
0x8a: {  	s1 =	srdreg.scid  }
0x8b: {  	s0 =	sand.u32 $0x1, s1  }
0x8c: {  	s16 =	sshll.u32 s0, $0xA;
	s2 =	sadd.s32 s3, s2  }
0x8d: {  	s2 =	sadd.s32 s2, s16  }
0x8e: {  	[smem:$0x3FB8] =	sst s2  }
0x8f: {  	_ = 	snop  }
0x90: {  	(tm) =	ssettm $0x1  }
0x91: {  	s17 =	sld [smem:$0x3FFB];
	_ =	sdelay $0x3  }
0x92: {  	_ =	strace s17  }
0x93: {  	s2 =	sld [smem:$0x3FFC];
	_ =	sdelay $0x3  }
0x94: {  	_ =	strace s2  }
0x95: {  	s2 =	sld [smem:$0x3FFD];
	_ =	sdelay $0x3  }
0x96: {  	_ =	strace s2  }
0x97: {  	_ =	strace $0x8FFFFFFF  }
0x98: {  	s18 =	sld [smem:$0x3FDB];
	_ =	sdelay $0x1  }
0x99: {  	s19 =	simm.s32 $_scs_section_size  }
0x9a: {  	s4 =	simm.s32 $_size__tile_overlayer_lowered;
	s5 =	simm.s32 $_tile_overlayer_lowered  }
0x9b: {  	s22 =	simm.s32 $0x1BFF;
	s21 =	sshll.u32 s5, $0x1;
	s2 =	sadd.s32 s19, s18  }
0x9c: {  	s6 =	simm.s32 $0x0;
	s20 =	sshll.u32 s4, $0x1;
	s4 =	sadd.s32 s21, s2  }
0x9d: {  	[timem:s6], [sflag:s22] =	dma.local [hbm:s4], s20  }
0x9e: {  	_ =	swait.ge [sflag:s22], s20  }
0x9f: {  	s3 =	ssub.s32 $0x0, s20;
	[sflag:s22] =	ssyncset.done $0x0  }
0xa0: {  	[sflag:s22] =	ssyncadd.s32 s3;
	_ =	sdelay $0x1  }
0xa1: {  	s23 =	simm.s32 $0x1B8B  }
0xa2: {  	_ =	swait.ge [sflag:s23], $0x1  }
0xa3: {  	[sflag:s23] =	ssyncset.done $0x0  }
0xa4: {  	s25 =	simm.s32 $0x1B8E;
	s24 =	sld [smem:$0x3FFE];
	[sflag:s23] =	ssyncadd.s32 $0xFFFFFFFF  }
0xa5: {  	s26 =	simm.s32 $execute0_lowered;
	[smem:$0x3FD2] =	sst s25  }
0xa6: {  	s4 =	sshll.u32 s26, $0x1;
	_ =	strace $0x80000046;
	[dreg:$0x1] =	wrdreg $0xFFFFFFFF  }
0xa7: {  	s28 =	simm.s32 $_size_execute0_lowered;
	s2 =	sadd.s32 s2, s4;
	[dreg:$0x0] =	wrdreg $0x0  }
0xa8: {  	s4 =	sshll.u32 s28, $0x1;
	[dreg:$0x2] =	wrdreg s2  }
0xa9: {  	[dreg:$0x3] =	wrdreg s4  }
0xaa: {  	[dreg:$0x4] =	wrdreg $0xC0  }
0xab: {  	_ =	task [dreg:s6], $0x5FFFF  }
0xac: {  	[dreg:$0x1] =	wrdreg $0xFFFFFFFF  }
0xad: {  	[dreg:$0x0] =	wrdreg $0x60  }
0xae: {  	[dreg:$0x2] =	wrdreg s24  }
0xaf: {  	[dreg:$0x3] =	wrdreg $0x57000  }
0xb0: {  	[dreg:$0x4] =	wrdreg $0x9  }
0xb1: {  	_ =	task.clear_ibuf [dreg:s6], $0x5FFFF;
	_ =	strace $0x90000046  }
0xb2: {  	s29 =	simm.s32 $0x9;
	_ =	strace $0x80000048  }
0xb3: {  	_ =	swait.ge [sflag:s29], $0x1  }
0xb4: {  	[sflag:s29] =	ssyncadd.s32 $0xFFFFFFFF  }
0xb5: {  	_ =	strace $0x90000048  }
0xb6: {  	_ =	sfence  }
0xb7: {  	s30 =	sld [smem:$0x0];
	_ =	sdelay $0x2  }
0xb8: {  	s31 =	sshll.u32 s1, $0xD;
	s1 =	sshrl.u32 s1, $0x2  }
0xb9: {  	s3 =	sand.u32 $0x4000, s31;
	s1 =	sadd.s32 s1, s30  }
0xba: {  	s0 =	sor.u32 s3, s0;
	s1 =	sshll.u32 s1, $0x11  }
0xbb: {  	s0 =	sor.u32 s1, s0  }
0xbc: {  	s0 =	sadd.s32 $0x8F2B, s0  }
0xbd: {  	[sflag:s0] =	ssyncadd.remote.s32 $0x1  }
0xbe: {  	_ =	sfence.sel $0xFFFF  }
0xbf: {  	[dreg:$0x0] =	wrdreg $0xFFFFFFFF;
	(pc) =	sbr.abs _section_cstart, $3  }
0xc0: {  	[dreg:$0x1] =	wrdreg $0xFFFFFFFF  }
0xc1: {  	_ =	task.clear_ibuf [dreg:s6], $0x2FFFF;
	_ =	strace $0x9FFFFFFF  }
0xc2: {  	(tm) =	ssettm $0x7FFFFFFF  }
0xc3: {  	_ =	shalt  }
tec
execute0_lowered:
.L_overlay_start_1:
0x0: {  	(tag) =	ssettag $0x1  }
0x1: {  	s0 =	srdreg.scid;
	s5 =	rddreg [dreg:$0x0]  }
0x2: {  	s2 =	rddreg [dreg:$0x1];
	s3 =	simm.s32 $0x0;
	s13 =	simm.s32 $0x4F00  }
0x3: {  	s14 =	simm.s32 $0x80;
	s4 =	sand.u32 $0x1, s0;
	s0 =	stileid.u32  }
0x4: {  	s15 =	simm.s32 $0x0;
	[smem:$0x7FF] =	sst s3;
	s7 =	smul.u32 $0x2780, s0  }
0x5: {  	s1 =	sshll.u32 s4, $0x4;
	s8 =	smul.u32 $0x27800, s4;
	s4 =	ssub.s32 $0x2, s4  }
0x6: {  	s11 =	sshll.u32 s0, $0x6;
	s1 =	sor.u32 s0, s1;
	s31 =	sshrl.u32 s4, $0x1  }
0x7: {  	s11 =	sor.u32 $0x1C01, s11;
	s6 =	smul.u32 $0x2780, s1;
	s1 =	rddreg [dreg:$0x2]  }
0x8: {  	v0 =	vlaneseq.u32;
	_ =	strace $0x80000047;
	s8 =	sadd.s32 s7, s8;
	s9 =	sshrl.u32 s7, $0x3  }
0x9: {  	v0 =	vmul.u32 $0x10, v0;
	s10 =	ssub.s32 s4, s31;
	s12 =	sadd.s32 s7, s2;
	s8 =	sshrl.u32 s8, $0x3  }
0xa: {  	s9 =	sadd.s32 s9, s5;
	s6 =	sshrl.u32 s6, $0x3;
	s8 =	sadd.s32 s8, s5  }
0xb: {  	v1 =	vimm.f32 $0.0e+00;
	v2 =	vor.u32 $0x100, v0;
	s12 =	sshrl.u32 s12, $0x3;
	s6 =	sadd.s32 s6, s5;
	s7 =	sadd.s32 $0x25400, s8  }
0xc: {  	v3 =	vor.u32 $0x200, v0;
	v4 =	vor.u32 $0x300, v0;
	v5 =	vor.u32 $0x400, v0;
	s8 =	smax.u32 s10, $0x1;
	s10 =	simm.s32 $0x2780;
	s4 =	sadd.s32 $0xC800, s6  }
0xd: {  	v6 =	vor.u32 $0x500, v0;
	v7 =	vor.u32 $0x600, v0;
	v8 =	vor.u32 $0x700, v0;
	s5 =	sadd.s32 $0x16600, s6;
	s6 =	sadd.s32 $0x20400, s9;
	s9 =	simm.s32 $0x1  }
.LBB2_1:
0xe: {  	[tilespmem:s3], [sflag:$0x1] =	stream.linear.gather [hbm4b:s4+s3], $0x2780, $0x38;
	[tilespmem:$0x7E80] =	vst v63  }
0xf: {  	_ =	swait.ge [sflag:s9], $0x2780  }
0x10: {  	[sflag:s9] =	ssyncset.done $0x0  }
0x11: {  	[sflag:s9] =	ssyncadd.s32 $0xFFFFD880  }
0x12: {  	[tilespmem:s10], [sflag:$0x1] =	stream.linear.gather [hbm4b:s5+s3], $0x2780, $0x38;
	[tilespmem:$0x7E80] =	vst v63  }
0x13: {  	_ =	swait.ge [sflag:s9], $0x2780  }
0x14: {  	[sflag:s9] =	ssyncset.done $0x0  }
0x15: {  	[sflag:s9] =	ssyncadd.s32 $0xFFFFD880  }
0x16: {  	[spmem:s12], [sflag:s11] =	dma.local [hbm:s6], $0x4F0  }
0x17: {  	_ =	swait.ge [sflag:s9], $0x4F0  }
0x18: {  	[sflag:s9] =	ssyncset.done $0x0  }
0x19: {  	s16 =	simm.s32 $0x40;
	s17 =	simm.s32 $0x0;
	[sflag:s9] =	ssyncadd.s32 $0xFFFFFB10  }
.LBB2_2:
0x1a: {  	p0 =	sne.s32 s16, $0x1FC0;
	[tilespmem:s17+$0x4F00] =	vst v1;
	s17 =	smov.u32 s16;
	s16 =	sadd.s32 $0x40, s16  }
.Ltmp0:
0x1b: {  	(pc) =	sbr.rel @p0 .LBB2_2-.Ltmp0, $2  }
0x1c: {  	_ =	sdelay $0x2  }
0x1d: {  	s17 =	sshra.s32 s17, $0x2  }
0x1e: {  	[tilespmem:s17+$0x4F00] =	vst v1  }
0x1f: {  	s16 =	simm.s32 $0x0;
	[bflag:$0x0] =	sbarrier.arrive $0xFFFF  }
0x20: {  	v9 =	vld [tilespmem:s16+$0x2780];
	_ =	sdelay $0x4  }
0x21: {  	[tilespmem:v0+s13+$0x0] =	vst.idx.msk $0xffff, v9  }
0x22: {  	v9 =	vld [tilespmem:s16+$0x2790];
	_ =	sdelay $0x4  }
0x23: {  	[tilespmem:v2+s13+$0x0] =	vst.idx.msk $0xffff, v9  }
0x24: {  	v9 =	vld [tilespmem:s16+$0x27A0];
	_ =	sdelay $0x4  }
0x25: {  	[tilespmem:v3+s13+$0x0] =	vst.idx.msk $0xffff, v9  }
0x26: {  	v9 =	vld [tilespmem:s16+$0x27B0];
	_ =	sdelay $0x4  }
0x27: {  	[tilespmem:v4+s13+$0x0] =	vst.idx.msk $0xffff, v9  }
0x28: {  	v9 =	vld [tilespmem:s16+$0x27C0];
	_ =	sdelay $0x4  }
0x29: {  	[tilespmem:v5+s13+$0x0] =	vst.idx.msk $0xffff, v9  }
0x2a: {  	v9 =	vld [tilespmem:s16+$0x27D0];
	_ =	sdelay $0x4  }
0x2b: {  	[tilespmem:v6+s13+$0x0] =	vst.idx.msk $0xffff, v9  }
0x2c: {  	v9 =	vld [tilespmem:s16+$0x27E0];
	_ =	sdelay $0x4  }
0x2d: {  	[tilespmem:v7+s13+$0x0] =	vst.idx.msk $0xffff, v9  }
0x2e: {  	v9 =	vld [tilespmem:s16+$0x27F0];
	_ =	sdelay $0x4  }
0x2f: {  	[tilespmem:v8+s13+$0x0] =	vst.idx.msk $0xffff, v9  }
0x30: {  	[spmem:s2] =	stream.indirect.scatter.add.f32 [tilespmem:s13], [sflag:$0x1], $0x10, s16, s14, $0xb8;
	[tilespmem:$0x7E80] =	vst v63  }
0x31: {  	_ =	swait.ge [sflag:s9], $0x800  }
0x32: {  	s19 =	simm.s32 $0x400;
	s16 =	simm.s32 $0x200;
	[sflag:s9] =	ssyncset.done $0x0  }
.LBB2_4:
0x33: {  	s18 =	sshra.s32 s16, $0x2  }
0x34: {  	[sflag:s9] =	ssyncadd.s32 $0xFFFFF800;
	s16 =	smov.u32 s19;
	s17 =	sadd.s32 $0x200, s19  }
0x35: {  	p0 =	sne.s32 s19, $0x9C00;
	v9 =	vld [tilespmem:s18+$0x2780];
	_ =	sdelay $0x4  }
0x36: {  	[tilespmem:v0+s13+$0x0] =	vst.idx.msk $0xffff, v9  }
0x37: {  	v9 =	vld [tilespmem:s18+$0x2790];
	_ =	sdelay $0x4  }
0x38: {  	[tilespmem:v2+s13+$0x0] =	vst.idx.msk $0xffff, v9  }
0x39: {  	v9 =	vld [tilespmem:s18+$0x27A0];
	_ =	sdelay $0x4  }
0x3a: {  	[tilespmem:v3+s13+$0x0] =	vst.idx.msk $0xffff, v9  }
0x3b: {  	v9 =	vld [tilespmem:s18+$0x27B0];
	_ =	sdelay $0x4  }
0x3c: {  	[tilespmem:v4+s13+$0x0] =	vst.idx.msk $0xffff, v9  }
0x3d: {  	v9 =	vld [tilespmem:s18+$0x27C0];
	_ =	sdelay $0x4  }
0x3e: {  	[tilespmem:v5+s13+$0x0] =	vst.idx.msk $0xffff, v9  }
0x3f: {  	v9 =	vld [tilespmem:s18+$0x27D0];
	_ =	sdelay $0x4  }
0x40: {  	[tilespmem:v6+s13+$0x0] =	vst.idx.msk $0xffff, v9  }
0x41: {  	v9 =	vld [tilespmem:s18+$0x27E0];
	_ =	sdelay $0x4  }
0x42: {  	[tilespmem:v7+s13+$0x0] =	vst.idx.msk $0xffff, v9  }
0x43: {  	v9 =	vld [tilespmem:s18+$0x27F0];
	_ =	sdelay $0x3  }
.Ltmp1:
0x44: {  	(pc) =	sbr.rel @p0 .LBB2_4-.Ltmp1, $4  }
0x45: {  	[tilespmem:v8+s13+$0x0] =	vst.idx.msk $0xffff, v9  }
0x46: {  	[spmem:s2] =	stream.indirect.scatter.add.f32 [tilespmem:s13], [sflag:$0x1], $0x10, s18, s14, $0xb8;
	[tilespmem:$0x7E80] =	vst v63  }
0x47: {  	_ =	swait.ge [sflag:s9], $0x800  }
0x48: {  	s19 =	smov.u32 s17;
	[sflag:s9] =	ssyncset.done $0x0  }
0x49: {  	s16 =	sshra.s32 s16, $0x2;
	[sflag:s9] =	ssyncadd.s32 $0xFFFFF800  }
0x4a: {  	v9 =	vld [tilespmem:s16+$0x2780];
	_ =	sdelay $0x4  }
0x4b: {  	[tilespmem:v0+s13+$0x0] =	vst.idx.msk $0xffff, v9  }
0x4c: {  	v9 =	vld [tilespmem:s16+$0x2790];
	_ =	sdelay $0x4  }
0x4d: {  	[tilespmem:v2+s13+$0x0] =	vst.idx.msk $0xffff, v9  }
0x4e: {  	v9 =	vld [tilespmem:s16+$0x27A0];
	_ =	sdelay $0x4  }
0x4f: {  	[tilespmem:v3+s13+$0x0] =	vst.idx.msk $0xffff, v9  }
0x50: {  	v9 =	vld [tilespmem:s16+$0x27B0];
	_ =	sdelay $0x4  }
0x51: {  	[tilespmem:v4+s13+$0x0] =	vst.idx.msk $0xffff, v9  }
0x52: {  	v9 =	vld [tilespmem:s16+$0x27C0];
	_ =	sdelay $0x4  }
0x53: {  	[tilespmem:v5+s13+$0x0] =	vst.idx.msk $0xffff, v9  }
0x54: {  	v9 =	vld [tilespmem:s16+$0x27D0];
	_ =	sdelay $0x4  }
0x55: {  	[tilespmem:v6+s13+$0x0] =	vst.idx.msk $0xffff, v9  }
0x56: {  	v9 =	vld [tilespmem:s16+$0x27E0];
	_ =	sdelay $0x4  }
0x57: {  	[tilespmem:v7+s13+$0x0] =	vst.idx.msk $0xffff, v9  }
0x58: {  	v9 =	vld [tilespmem:s16+$0x27F0];
	_ =	sdelay $0x4  }
0x59: {  	[tilespmem:v8+s13+$0x0] =	vst.idx.msk $0xffff, v9  }
0x5a: {  	[spmem:s2] =	stream.indirect.scatter.add.f32 [tilespmem:s13], [sflag:$0x1], $0x10, s16, s14, $0xb8;
	[tilespmem:$0x7E80] =	vst v63  }
0x5b: {  	_ =	swait.ge [sflag:s9], $0x800  }
0x5c: {  	s15 =	sadd.s32 $0x1, s15;
	[sflag:s9] =	ssyncset.done $0x0  }
0x5d: {  	p0 =	sne.s32 s15, s8;
	[sflag:s9] =	ssyncadd.s32 $0xFFFFF800  }
.Ltmp2:
0x5e: {  	[bflag:$0x0] =	sbarrier.arrive $0xFFFF;
	(pc) =	sbr.rel @p0 .LBB2_1-.Ltmp2, $4  }
0x5f: {  	[hbm:s7], [sflag:s11] =	dma.local [spmem:s12], $0x4F0  }
0x60: {  	_ =	swait.ge [sflag:s9], $0x4F0  }
0x61: {  	[sflag:s9] =	ssyncset.done $0x0  }
0x62: {  	[sflag:s9] =	ssyncadd.s32 $0xFFFFFB10  }
0x63: {  	_ =	sfence.sel $0x180000  }
0x64: {  	[bflag:$0x0] =	sbarrier.arrive $0xFFFF  }
0x65: {  	p0 =	sne.s32 s0, $0x0;
	_ =	strace $0x90000047  }
0x66: {  	s0 =	sadd.s32 @!p0 $0x100000, s1;
	[bflag:$0x2] =	sbarrier.arrive $0xFFFF  }
0x67: {  	[sflag:s0] =	ssyncadd.tile.s32 @!p0 $0x1;
	_ =	shalt  }
.Lfunc_end2:
_tile_overlayer_lowered:
.L_overlay_start_2:
0x68: {  	(tag) =	ssettag $0x2  }
0x69: {  	s0 =	rddreg [dreg:$0x0];
	s2 =	stileid.u32  }
0x6a: {  	s1 =	rddreg [dreg:$0x1];
	p0 =	sne.s32 s2, $0x0  }
0x6b: {  	s3 =	rddreg [dreg:$0x2];
	[bflag:$0x3] =	sbarrier.arrive $0xFFFF;
	s2 =	simm.s32 @!p0 $0x1C01  }
0x6c: {  	[timem:s3], [sflag:s2] =	dma.local @!p0 [hbm:s0], s1  }
0x6d: {  	s0 =	simm.s32 @!p0 $0x1  }
0x6e: {  	_ =	swait.ge @!p0 [sflag:s0], s1  }
0x6f: {  	s1 =	ssub.s32 @!p0 $0x0, s1;
	[sflag:s0] =	ssyncset.done @!p0 $0x0  }
0x70: {  	[sflag:s0] =	ssyncadd.s32 @!p0 s1  }
0x71: {  	[bflag:$0x3] =	sbarrier.arrive $0xFFFF  }
0x72: {  	_ =	shalt  }

// kernel: kernel.9.cloned.1.call-start
scs
__scs_entry_jumppad:
0x0: {  	(pc) =	sbr.rel $0x88, $3  }
0x1: {  	(tag) =	ssettag $0x0;
	lr =	simm.s32 $0x1  }
0x2: {  	[smem:$0x3F91] =	sst lr;
	_ =	strace $0xD0000000  }
0x3: {  	_ = 	snop  }
0x4: {  	_ = 	snop  }
0x5: {  	_ = 	snop  }
0x6: {  	_ = 	snop  }
0x7: {  	_ = 	snop  }
__scs_overlays_trampoline_lowered:
0x8: {  	[smem:$0x3FA0] =	sst s0  }
0x9: {  	[smem:$0x3FA1] =	sst s1  }
0xa: {  	[smem:$0x3FA2] =	sst s2  }
0xb: {  	[smem:$0x3FA3] =	sst s3  }
0xc: {  	[smem:$0x3FA4] =	sst s4  }
0xd: {  	[smem:$0x3FA5] =	sst s5  }
0xe: {  	[smem:$0x3FA6] =	sst s6  }
0xf: {  	[smem:$0x3FA7] =	sst s7  }
0x10: {  	[smem:$0x3FA8] =	sst s8  }
0x11: {  	[smem:$0x3FA9] =	sst s9;
	s0 =	simm.s32 @!p0 $0x0  }
0x12: {  	s1 =	sld [smem:$0x3F8F];
	s0 =	simm.s32 @p0 $0x1  }
0x13: {  	[smem:$0x3FAA] =	sst s0;
	s0 =	simm.s32 @!p1 $0x0  }
0x14: {  	s2 =	sld [smem:$0x3F8E];
	s0 =	simm.s32 @p1 $0x1  }
0x15: {  	[smem:$0x3FAB] =	sst s0;
	s0 =	simm.s32 @!p2 $0x0  }
0x16: {  	s3 =	sld [smem:$0x3FDB];
	s0 =	simm.s32 @p2 $0x1  }
0x17: {  	s4 =	simm.s32 $0x1BF5;
	[smem:$0x3FAD] =	sst s0  }
0x18: {  	s0 =	sld [smem:$0x3F90];
	_ =	swait.ge [sflag:s4], $0x0  }
0x19: {  	s7 =	sld [smem:$0x3F91]  }
0x1a: {  	s8 =	sadd.s32 $0xFFFFE003, lr  }
0x1b: {  	s9 =	sadd.s32 $0xFFFFFEF7, lr;
	s5 =	simm.s32 $0xFFFFFFFF;
	p2 =	slt.u32 s8, $0xFFFFF086  }
0x1c: {  	p1 =	slt.u32 s9, $0xF7A;
	s5 =	simm.s32 @!p2 $0x0  }
0x1d: {  	s5 =	simm.s32 @p1 $0x1;
	p0 =	seq.s32 s7, s2  }
0x1e: {  	s7 =	smul.u32 @!p0 $0xF7A, s2;
	p2 =	seq.s32 @!p0 s5, $0x0  }
0x1f: {  	s9 =	smul.u32 $0xF7A, s1;
	s8 =	simm.s32 @!p0 $0x1BF5;
	p2 =	por !p2, p0  }
0x20: {  	[sflag:s8] =	ssyncset.s32 @!p0 $0xFFFFF086;
	s6 =	sadd.s32 @!p0 s3, s7;
	s7 =	simm.s32 @!p0 $0x108  }
0x21: {  	s3 =	sadd.s32 s3, s9;
	s6 =	sadd.s32 @!p0 $0x88, s6;
	s7 =	simm.s32 @p2 $0x1082  }
0x22: {  	[simem:s7], [sflag:s8] =	dma.local @!p0 [hbm:s6], $0xF7A  }
0x23: {  	s9 =	sor.u32 $0xD0000000, s2;
	s6 =	simm.s32 $0x108;
	_ =	swait.ge @!p0 [sflag:s8], $0x0  }
0x24: {  	s3 =	sadd.s32 $0x88, s3;
	s6 =	simm.s32 @!p1 $0x1082;
	[sflag:s4] =	ssyncset.s32 $0xFFFFF086  }
0x25: {  	[simem:s6], [sflag:s4] =	dma.local [hbm:s3], $0xF7A  }
0x26: {  	[smem:$0x3F91] =	sst s1;
	(tag) =	ssettag s2;
	_ =	strace s9  }
0x27: {  	s1 =	sld [smem:$0x3FA1]  }
0x28: {  	s2 =	sld [smem:$0x3FA2]  }
0x29: {  	s4 =	sld [smem:$0x3FA4]  }
0x2a: {  	p0 =	seq.s32 s5, $0x0;
	s5 =	sld [smem:$0x3FA5]  }
0x2b: {  	s6 =	sld [smem:$0x3FA6]  }
0x2c: {  	s7 =	sld [smem:$0x3FA7]  }
0x2d: {  	s3 =	simm.s32 $0x108;
	s8 =	sld [smem:$0x3FA8]  }
0x2e: {  	s3 =	simm.s32 @!p0 $0x1082;
	s9 =	sld [smem:$0x3FA9]  }
0x2f: {  	lr =	sadd.s32 s0, s3;
	s0 =	sld [smem:$0x3FA0]  }
0x30: {  	s3 =	sld [smem:$0x3FA3]  }
0x31: {  	[smem:$0x3FAC] =	sst s10  }
0x32: {  	s10 =	sld [smem:$0x3FAA];
	_ =	sdelay $0x3  }
0x33: {  	p0 =	seq.s32 s10, $0x1;
	s10 =	sld [smem:$0x3FAC];
	_ =	sdelay $0x3  }
0x34: {  	[smem:$0x3FAC] =	sst s10  }
0x35: {  	s10 =	sld [smem:$0x3FAB];
	_ =	sdelay $0x3  }
0x36: {  	p1 =	seq.s32 s10, $0x1;
	s10 =	sld [smem:$0x3FAC];
	_ =	sdelay $0x3  }
0x37: {  	[smem:$0x3FAC] =	sst s10  }
0x38: {  	s10 =	sld [smem:$0x3FAD]  }
0x39: {  	_ = 	snop;
	(pc) =	sbr.ind lr, $3  }
0x3a: {  	_ = 	snop  }
0x3b: {  	_ = 	snop  }
0x3c: {  	p2 =	seq.s32 s10, $0x1;
	s10 =	sld [smem:$0x3FAC]  }
0x3d: {  	_ =	shalt  }
0x3e: {  	_ =	shalt  }
0x3f: {  	_ =	shalt  }
0x40: {  	_ =	shalt  }
0x41: {  	_ =	shalt  }
0x42: {  	_ =	shalt  }
0x43: {  	_ =	shalt  }
0x44: {  	_ =	shalt  }
0x45: {  	_ =	shalt  }
0x46: {  	_ =	shalt  }
0x47: {  	_ =	shalt  }
0x48: {  	_ =	shalt  }
0x49: {  	_ =	shalt  }
0x4a: {  	_ =	shalt  }
0x4b: {  	_ =	shalt  }
0x4c: {  	_ =	shalt  }
0x4d: {  	_ =	shalt  }
0x4e: {  	_ =	shalt  }
0x4f: {  	_ =	shalt  }
0x50: {  	_ =	shalt  }
0x51: {  	_ =	shalt  }
0x52: {  	_ =	shalt  }
0x53: {  	_ =	shalt  }
0x54: {  	_ =	shalt  }
0x55: {  	_ =	shalt  }
0x56: {  	_ =	shalt  }
0x57: {  	_ =	shalt  }
0x58: {  	_ =	shalt  }
0x59: {  	_ =	shalt  }
0x5a: {  	_ =	shalt  }
0x5b: {  	_ =	shalt  }
0x5c: {  	_ =	shalt  }
0x5d: {  	_ =	shalt  }
0x5e: {  	_ =	shalt  }
0x5f: {  	_ =	shalt  }
0x60: {  	_ =	shalt  }
0x61: {  	_ =	shalt  }
0x62: {  	_ =	shalt  }
0x63: {  	_ =	shalt  }
0x64: {  	_ =	shalt  }
0x65: {  	_ =	shalt  }
0x66: {  	_ =	shalt  }
0x67: {  	_ =	shalt  }
0x68: {  	_ =	shalt  }
0x69: {  	_ =	shalt  }
0x6a: {  	_ =	shalt  }
0x6b: {  	_ =	shalt  }
0x6c: {  	_ =	shalt  }
0x6d: {  	_ =	shalt  }
0x6e: {  	_ =	shalt  }
0x6f: {  	_ =	shalt  }
0x70: {  	_ =	shalt  }
0x71: {  	_ =	shalt  }
0x72: {  	_ =	shalt  }
0x73: {  	_ =	shalt  }
0x74: {  	_ =	shalt  }
0x75: {  	_ =	shalt  }
0x76: {  	_ =	shalt  }
0x77: {  	_ =	shalt  }
0x78: {  	_ =	shalt  }
0x79: {  	_ =	shalt  }
0x7a: {  	_ =	shalt  }
0x7b: {  	_ =	shalt  }
0x7c: {  	_ =	shalt  }
0x7d: {  	_ =	shalt  }
0x7e: {  	_ =	shalt  }
0x7f: {  	_ =	shalt  }
0x80: {  	_ =	shalt  }
0x81: {  	_ =	shalt  }
0x82: {  	_ =	shalt  }
0x83: {  	_ =	shalt  }
0x84: {  	_ =	shalt  }
0x85: {  	_ =	shalt  }
0x86: {  	_ =	shalt  }
0x87: {  	_ =	shalt  }
.Lfunc_end0:
.L_simem_size_0:
called_computation.1_lowered:
.L_overlay_start_0:
0x88: {  	s2 =	sld [smem:$0x3FD9]  }
0x89: {  	s3 =	sld [smem:$0x3FFE];
	_ =	sdelay $0x1  }
0x8a: {  	s1 =	srdreg.scid  }
0x8b: {  	s0 =	sand.u32 $0x1, s1  }
0x8c: {  	s17 =	sshll.u32 s0, $0xA;
	s2 =	sadd.s32 s3, s2  }
0x8d: {  	s2 =	sadd.s32 s2, s17  }
0x8e: {  	[smem:$0x3FB8] =	sst s2  }
0x8f: {  	_ = 	snop  }
0x90: {  	s18 =	sld [smem:$0x3FD0];
	(tm) =	ssettm $0x1  }
0x91: {  	s19 =	sld [smem:$0x3FFB];
	_ =	sdelay $0x3  }
0x92: {  	_ =	strace s19  }
0x93: {  	s2 =	sld [smem:$0x3FFC];
	_ =	sdelay $0x3  }
0x94: {  	_ =	strace s2  }
0x95: {  	s2 =	sld [smem:$0x3FFD];
	_ =	sdelay $0x3  }
0x96: {  	_ =	strace s2  }
0x97: {  	_ =	strace $0x8FFFFFFF  }
0x98: {  	s20 =	sld [smem:$0x3FDB];
	_ =	sdelay $0x1  }
0x99: {  	s4 =	simm.s32 $_scs_section_size  }
0x9a: {  	s5 =	simm.s32 $_size__tile_overlayer_lowered;
	s6 =	simm.s32 $_tile_overlayer_lowered  }
0x9b: {  	s7 =	simm.s32 $0x1BFF;
	s21 =	sshll.u32 s6, $0x1;
	s4 =	sadd.s32 s4, s20  }
0x9c: {  	s22 =	simm.s32 $0x0;
	s5 =	sshll.u32 s5, $0x1;
	s6 =	sadd.s32 s21, s4  }
0x9d: {  	[timem:s22], [sflag:s7] =	dma.local [hbm:s6], s5  }
0x9e: {  	_ =	swait.ge [sflag:s7], s5  }
0x9f: {  	s5 =	ssub.s32 $0x0, s5;
	[sflag:s7] =	ssyncset.done $0x0  }
0xa0: {  	[sflag:s7] =	ssyncadd.s32 s5;
	_ =	sdelay $0x1  }
0xa1: {  	s23 =	simm.s32 $0x1B8B  }
0xa2: {  	_ =	swait.ge [sflag:s23], $0x1  }
0xa3: {  	[sflag:s23] =	ssyncset.done $0x0  }
0xa4: {  	[sflag:s23] =	ssyncadd.s32 $0xFFFFFFFF  }
0xa5: {  	s5 =	sld [smem:$0x0]  }
0xa6: {  	s6 =	sand.u32 $0xFFFFFFFE, s1  }
0xa7: {  	p0 =	sne.s32 s1, s6  }
0xa8: {  	s6 =	sshll.u32 @p0 s6, $0xE  }
0xa9: {  	s6 =	sadd.s32 @p0 $0x11B8D, s6;
	s7 =	sshll.u32 @p0 s5, $0x11  }
0xaa: {  	s6 =	sor.u32 @p0 s7, s6  }
0xab: {  	[sflag:s6] =	ssyncadd.remote.s32 @p0 $0x1;
	_ =	sdelay $0x1  }
0xac: {  	s6 =	simm.s32 @p0 $0x1B8D  }
0xad: {  	_ =	swait.eq @p0 [sflag:s6], $0x1  }
0xae: {  	[sflag:s6] =	ssyncadd.s32 @p0 $0xFFFFFFFF  }
0xaf: {  	s7 =	sshll.u32 @!p0 s1, $0xE  }
0xb0: {  	s7 =	sor.u32 @!p0 $0x4000, s7;
	s6 =	simm.s32 @!p0 $0x1B8D  }
0xb1: {  	s5 =	sshll.u32 @!p0 s5, $0x11;
	s7 =	sadd.s32 @!p0 $0x11B8D, s7;
	_ =	swait.eq @!p0 [sflag:s6], $0x1  }
0xb2: {  	s5 =	sor.u32 @!p0 s5, s7;
	[sflag:s6] =	ssyncadd.s32 @!p0 $0xFFFFFFFF  }
0xb3: {  	s25 =	simm.s32 $0x1B8E;
	s24 =	sld [smem:$0x3FFE];
	[sflag:s5] =	ssyncadd.remote.s32 @!p0 $0x1  }
0xb4: {  	s26 =	simm.s32 $execute0_lowered;
	[smem:$0x3FD2] =	sst s25  }
0xb5: {  	s6 =	sshll.u32 s26, $0x1;
	_ =	strace $0x80000049;
	[dreg:$0x1] =	wrdreg $0xFFFFFFFF  }
0xb6: {  	s28 =	simm.s32 $_size_execute0_lowered;
	s4 =	sadd.s32 s4, s6;
	[dreg:$0x0] =	wrdreg $0x0  }
0xb7: {  	s6 =	sshll.u32 s28, $0x1;
	[dreg:$0x2] =	wrdreg s4  }
0xb8: {  	[dreg:$0x3] =	wrdreg s6  }
0xb9: {  	[dreg:$0x4] =	wrdreg $0xC0  }
0xba: {  	_ =	task [dreg:s22], $0x5FFFF  }
0xbb: {  	[dreg:$0x1] =	wrdreg $0xFFFFFFFF  }
0xbc: {  	[dreg:$0x0] =	wrdreg $0x60  }
0xbd: {  	[dreg:$0x2] =	wrdreg s18  }
0xbe: {  	[dreg:$0x3] =	wrdreg s24  }
0xbf: {  	[dreg:$0x4] =	wrdreg $0xB6800  }
0xc0: {  	[dreg:$0x5] =	wrdreg $0xA  }
0xc1: {  	_ =	task.clear_ibuf [dreg:s22], $0x6FFFF;
	_ =	strace $0x90000049  }
0xc2: {  	s29 =	simm.s32 $0xA;
	_ =	strace $0x8000004B  }
0xc3: {  	_ =	swait.ge [sflag:s29], $0x1  }
0xc4: {  	[sflag:s29] =	ssyncadd.s32 $0xFFFFFFFF  }
0xc5: {  	_ =	strace $0x9000004B  }
0xc6: {  	_ =	sfence  }
0xc7: {  	s30 =	sld [smem:$0x0];
	_ =	sdelay $0x2  }
0xc8: {  	s31 =	sshll.u32 s1, $0xD;
	s1 =	sshrl.u32 s1, $0x2  }
0xc9: {  	s4 =	sand.u32 $0x4000, s31;
	s1 =	sadd.s32 s1, s30  }
0xca: {  	s0 =	sor.u32 s4, s0;
	s1 =	sshll.u32 s1, $0x11  }
0xcb: {  	s0 =	sor.u32 s1, s0  }
0xcc: {  	s0 =	sadd.s32 $0x8F2B, s0  }
0xcd: {  	[sflag:s0] =	ssyncadd.remote.s32 $0x1  }
0xce: {  	_ =	sfence.sel $0xFFFF  }
0xcf: {  	[dreg:$0x0] =	wrdreg $0xFFFFFFFF;
	(pc) =	sbr.abs _section_cstart, $3  }
0xd0: {  	[dreg:$0x1] =	wrdreg $0xFFFFFFFF  }
0xd1: {  	_ =	task.clear_ibuf [dreg:s22], $0x2FFFF;
	_ =	strace $0x9FFFFFFF  }
0xd2: {  	(tm) =	ssettm $0x7FFFFFFF  }
0xd3: {  	_ =	shalt  }
tec
execute0_lowered:
.L_overlay_start_1:
0x0: {  	(tag) =	ssettag $0x1  }
0x1: {  	s2 =	rddreg [dreg:$0x0]  }
0x2: {  	s0 =	srdreg.scid;
	s6 =	rddreg [dreg:$0x1]  }
0x3: {  	s3 =	rddreg [dreg:$0x2];
	s4 =	simm.s32 $0x0;
	s14 =	simm.s32 $0x2780  }
0x4: {  	s15 =	simm.s32 $0x4F00;
	s16 =	simm.s32 $0x80;
	s17 =	simm.s32 $0x7680  }
0x5: {  	s18 =	simm.s32 $0x1;
	s5 =	sand.u32 $0x1, s0;
	s0 =	stileid.u32  }
0x6: {  	s19 =	simm.s32 $0x0;
	[smem:$0x7FF] =	sst s4;
	s8 =	smul.u32 $0x13C00, s0  }
0x7: {  	s1 =	sshll.u32 s5, $0x4;
	s9 =	smul.u32 $0x13C000, s5;
	s5 =	ssub.s32 $0x2, s5  }
0x8: {  	s31 =	sshll.u32 s0, $0x6;
	s1 =	sor.u32 s0, s1;
	s30 =	sshrl.u32 s5, $0x1  }
0x9: {  	s7 =	smul.u32 $0x2780, s1;
	s1 =	rddreg [dreg:$0x3];
	_ =	strace $0x8000004A  }
0xa: {  	s28 =	sadd.s32 s8, s9;
	s29 =	sshrl.u32 s8, $0x3;
	s12 =	ssub.s32 s5, s30  }
0xb: {  	s13 =	sadd.s32 s8, s3;
	s9 =	sadd.s32 s29, s6;
	s7 =	sshrl.u32 s7, $0x3  }
0xc: {  	s5 =	sadd.s32 $0x2F200, s9;
	s10 =	sadd.s32 s7, s6;
	s7 =	sshrl.u32 s28, $0x3  }
0xd: {  	s11 =	sadd.s32 s7, s6;
	s6 =	sor.u32 $0x1C02, s31;
	s7 =	sadd.s32 $0x2A00, s10  }
0xe: {  	s8 =	sadd.s32 $0xC800, s10;
	s9 =	sadd.s32 $0x16600, s10;
	s10 =	sadd.s32 $0x56A00, s11  }
0xf: {  	s11 =	smax.u32 s12, $0x1;
	s12 =	sshrl.u32 s13, $0x3;
	s13 =	simm.s32 $0x2  }
.LBB2_1:
0x10: {  	[spmem:s12], [sflag:s6] =	dma.local [hbm:s5], $0x2780  }
0x11: {  	_ =	swait.ge [sflag:s13], $0x2780  }
0x12: {  	[sflag:s13] =	ssyncset.done $0x0  }
0x13: {  	[sflag:s13] =	ssyncadd.s32 $0xFFFFD880  }
0x14: {  	[bflag:$0x0] =	sbarrier.arrive $0xFFFF  }
0x15: {  	[tilespmem:s4], [sflag:$0x2] =	stream.linear.gather [hbm4b:s7+s4], $0x2780, $0x38;
	[tilespmem:$0x1F280] =	vst v63  }
0x16: {  	_ =	swait.ge [sflag:s13], $0x2780  }
0x17: {  	[sflag:s13] =	ssyncset.done $0x0  }
0x18: {  	[sflag:s13] =	ssyncadd.s32 $0xFFFFD880  }
0x19: {  	[tilespmem:s14], [sflag:$0x2] =	stream.linear.gather [hbm4b:s8+s4], $0x2780, $0x38;
	[tilespmem:$0x1F280] =	vst v63  }
0x1a: {  	_ =	swait.ge [sflag:s13], $0x2780  }
0x1b: {  	[sflag:s13] =	ssyncset.done $0x0  }
0x1c: {  	[sflag:s13] =	ssyncadd.s32 $0xFFFFD880  }
0x1d: {  	[tilespmem:s15], [sflag:$0x2] =	stream.linear.gather [hbm4b:s9+s4], $0x2780, $0x38;
	[tilespmem:$0x1F280] =	vst v63  }
0x1e: {  	_ =	swait.ge [sflag:s13], $0x2780  }
0x1f: {  	[sflag:s13] =	ssyncset.done $0x0  }
0x20: {  	s20 =	simm.s32 $0x0;
	[sflag:s13] =	ssyncadd.s32 $0xFFFFD880  }
.LBB2_2:
0x21: {  	s23 =	simm.s32 $0x0  }
0x22: {  	s21 =	sshll.u32 s20, $0x7;
	v1 =	vmov s23  }
0x23: {  	v0 =	vmov s21;
	v1 =	vand.u32 $0x7C, v1  }
0x24: {  	v1 =	vor.u32 v0, v1  }
0x25: {  	v1 =	vbroadcast v1, $0x0  }
0x26: {  	[tilespmem:s17], [sflag:$0x1] =	stream.indirect.gather [hbm4b:s2+s16], $0x80, s21, s16, $0xb8;
	[tilespmem:$0x1F280] =	vst v63  }
0x27: {  	_ =	swait.ge [sflag:s18], $0x4000  }
0x28: {  	[sflag:s18] =	ssyncset.done $0x0  }
0x29: {  	s22 =	simm.s32 $0x7780;
	[sflag:s18] =	ssyncadd.s32 $0xFFFFC000  }
0x2a: {  	v3 =	vld [tilespmem:s22+$0xFFFFFF70]  }
0x2b: {  	v1 =	vld.idx.msk [tilespmem:v1+s15+$0x0], $0xffff  }
0x2c: {  	v4 =	vld [tilespmem:s22+$0xFFFFFF00]  }
0x2d: {  	v5 =	vld [tilespmem:s22+$0xFFFFFF20]  }
0x2e: {  	v6 =	vld [tilespmem:s22+$0xFFFFFF30]  }
0x2f: {  	v2 =	vld [tilespmem:s22+$0xFFFFFF50]  }
0x30: {  	s24 =	simm.s32 $0x1;
	v8 =	vld [tilespmem:s22+$0xFFFFFF10];
	v3 =	vmul.f32 v1, v3  }
0x31: {  	v10 =	vmov s24;
	v7 =	vld [tilespmem:s22+$0xFFFFFF60];
	v4 =	vmul.f32 v1, v4  }
0x32: {  	v9 =	vld [tilespmem:s22+$0xFFFFFF40];
	v5 =	vmul.f32 v1, v5;
	[tilespmem:s22+$0xFFFFFF70] =	vst v3;
	v3 =	vand.u32 $0x7D, v10  }
0x33: {  	v6 =	vmul.f32 v1, v6;
	[tilespmem:s22+$0xFFFFFF00] =	vst v4;
	v3 =	vor.u32 v0, v3  }
0x34: {  	v2 =	vmul.f32 v1, v2;
	[tilespmem:s22+$0xFFFFFF20] =	vst v5;
	v3 =	vbroadcast v3, $0x0  }
0x35: {  	v4 =	vmul.f32 v1, v8;
	[tilespmem:s22+$0xFFFFFF30] =	vst v6  }
0x36: {  	v5 =	vmul.f32 v1, v7;
	[tilespmem:s22+$0xFFFFFF50] =	vst v2  }
0x37: {  	v1 =	vmul.f32 v1, v9;
	[tilespmem:s22+$0xFFFFFF10] =	vst v4  }
0x38: {  	[tilespmem:s22+$0xFFFFFF60] =	vst v5  }
0x39: {  	[tilespmem:s22+$0xFFFFFF40] =	vst v1;
	v1 =	vld [tilespmem:s22+$0xFFFFFF80]  }
0x3a: {  	v3 =	vld.idx.msk [tilespmem:v3+s15+$0x0], $0xffff  }
0x3b: {  	v2 =	vld [tilespmem:s22+$0xFFFFFFA0]  }
0x3c: {  	v4 =	vld [tilespmem:s22+$0xFFFFFFF0]  }
0x3d: {  	v5 =	vld [tilespmem:s22+$0xFFFFFFC0]  }
0x3e: {  	v6 =	vld [tilespmem:s22+$0xFFFFFF90]  }
0x3f: {  	s31 =	simm.s32 $0x2;
	v7 =	vld [tilespmem:s22+$0xFFFFFFD0];
	v1 =	vmul.f32 v3, v1  }
0x40: {  	v62 =	vmov s31;
	v8 =	vld [tilespmem:s22+$0xFFFFFFB0];
	v2 =	vmul.f32 v3, v2  }
0x41: {  	v63 =	vld [tilespmem:s22+$0xFFFFFFE0];
	v4 =	vmul.f32 v3, v4;
	[tilespmem:s22+$0xFFFFFF80] =	vst v1;
	v1 =	vand.u32 $0x7E, v62  }
0x42: {  	v5 =	vmul.f32 v3, v5;
	[tilespmem:s22+$0xFFFFFFA0] =	vst v2;
	v1 =	vor.u32 v0, v1  }
0x43: {  	v2 =	vmul.f32 v3, v6;
	[tilespmem:s22+$0xFFFFFFF0] =	vst v4;
	v4 =	vbroadcast v1, $0x0  }
0x44: {  	v6 =	vmul.f32 v3, v7;
	[tilespmem:s22+$0xFFFFFFC0] =	vst v5;
	v7 =	vld [tilespmem:s22+$0x30]  }
0x45: {  	v5 =	vmul.f32 v3, v8;
	v1 =	vld [tilespmem:s22+$0x60];
	[tilespmem:s22+$0xFFFFFF90] =	vst v2  }
0x46: {  	v3 =	vmul.f32 v3, v63;
	v2 =	vld [tilespmem:s22+$0x70];
	[tilespmem:s22+$0xFFFFFFD0] =	vst v6  }
0x47: {  	[tilespmem:s22+$0xFFFFFFB0] =	vst v5;
	v6 =	vld [tilespmem:s22+$0x20]  }
0x48: {  	[tilespmem:s22+$0xFFFFFFE0] =	vst v3;
	v5 =	vld [tilespmem:s22+$0x0]  }
0x49: {  	v3 =	vld.idx.msk [tilespmem:v4+s15+$0x0], $0xffff  }
0x4a: {  	s25 =	simm.s32 $0x7780;
	s24 =	simm.s32 $0x4;
	v4 =	vld [tilespmem:s22+$0x10]  }
.LBB2_3:
0x4b: {  	p0 =	sne.s32 s24, $0x7C  }
0x4c: {  	v8 =	vld [tilespmem:s22+$0x50];
	s25 =	sadd.s32 $0x200, s25;
	s26 =	smov.u32 s24;
	s24 =	sadd.s32 $0x4, s24  }
0x4d: {  	v9 =	vld [tilespmem:s22+$0x40];
	_ =	sdelay $0x1  }
0x4e: {  	s28 =	sadd.s32 $0x3, s23;
	s23 =	smov.u32 s26;
	v7 =	vmul.f32 v3, v7;
	v5 =	vmul.f32 v3, v5  }
0x4f: {  	v10 =	vmov s28;
	v6 =	vmul.f32 v3, v6;
	v4 =	vmul.f32 v3, v4  }
0x50: {  	v1 =	vmul.f32 v3, v1;
	v2 =	vmul.f32 v3, v2;
	[tilespmem:s22+$0x30] =	vst v7;
	v7 =	vand.u32 $0x7F, v10  }
0x51: {  	[tilespmem:s22+$0x20] =	vst v6;
	v6 =	vmul.f32 v3, v9;
	v3 =	vmul.f32 v3, v8;
	v7 =	vor.u32 v0, v7  }
0x52: {  	[tilespmem:s22+$0x70] =	vst v2;
	v7 =	vbroadcast v7, $0x0;
	v8 =	vld [tilespmem:s22+$0x80]  }
0x53: {  	[tilespmem:s22+$0x60] =	vst v1;
	v9 =	vld [tilespmem:s22+$0xF0]  }
0x54: {  	v1 =	vld [tilespmem:s25+$0x60];
	[tilespmem:s22+$0x50] =	vst v3  }
0x55: {  	v2 =	vld [tilespmem:s25+$0x70];
	[tilespmem:s22+$0x40] =	vst v6  }
0x56: {  	[tilespmem:s22+$0x0] =	vst v5;
	v3 =	vld [tilespmem:s22+$0xD0]  }
0x57: {  	[tilespmem:s22+$0x10] =	vst v4;
	v4 =	vld [tilespmem:s22+$0xB0]  }
0x58: {  	v5 =	vld.idx.msk [tilespmem:v7+s15+$0x0], $0xffff  }
0x59: {  	v6 =	vld [tilespmem:s22+$0x90]  }
0x5a: {  	v7 =	vld [tilespmem:s22+$0xA0]  }
0x5b: {  	v10 =	vld [tilespmem:s22+$0xC0]  }
0x5c: {  	v11 =	vld [tilespmem:s22+$0xE0];
	_ =	sdelay $0x1  }
0x5d: {  	v8 =	vmul.f32 v5, v8;
	v6 =	vmul.f32 v5, v6  }
0x5e: {  	v12 =	vmov s23;
	v4 =	vmul.f32 v5, v4;
	v7 =	vmul.f32 v5, v7  }
0x5f: {  	v12 =	vand.u32 $0x7C, v12;
	v3 =	vmul.f32 v5, v3;
	[tilespmem:s22+$0x80] =	vst v8;
	v8 =	vmul.f32 v5, v10  }
0x60: {  	v10 =	vor.u32 v0, v12;
	[tilespmem:s22+$0xB0] =	vst v4;
	v4 =	vmul.f32 v5, v11;
	v5 =	vmul.f32 v5, v9  }
0x61: {  	v9 =	vbroadcast v10, $0x0;
	[tilespmem:s22+$0xA0] =	vst v7  }
0x62: {  	[tilespmem:s22+$0xD0] =	vst v3  }
0x63: {  	v3 =	vld [tilespmem:s25+$0xFFFFFF50];
	[tilespmem:s22+$0xF0] =	vst v5  }
0x64: {  	v5 =	vld [tilespmem:s25+$0xFFFFFF30];
	[tilespmem:s22+$0x90] =	vst v6  }
0x65: {  	v6 =	vld [tilespmem:s25+$0xFFFFFF60];
	[tilespmem:s22+$0xC0] =	vst v8  }
0x66: {  	v7 =	vld [tilespmem:s25+$0xFFFFFF70];
	[tilespmem:s22+$0xE0] =	vst v4;
	s22 =	smov.u32 s25  }
0x67: {  	v4 =	vld.idx.msk [tilespmem:v9+s15+$0x0], $0xffff  }
0x68: {  	v8 =	vld [tilespmem:s25+$0xFFFFFF00]  }
0x69: {  	v9 =	vld [tilespmem:s25+$0xFFFFFF20]  }
0x6a: {  	v10 =	vld [tilespmem:s25+$0xFFFFFF10]  }
0x6b: {  	v11 =	vld [tilespmem:s25+$0xFFFFFF40];
	_ =	sdelay $0x1  }
0x6c: {  	s26 =	sadd.s32 $0x1, s23;
	v7 =	vmul.f32 v4, v7;
	v8 =	vmul.f32 v4, v8  }
0x6d: {  	v12 =	vmov s26;
	v6 =	vmul.f32 v4, v6;
	v9 =	vmul.f32 v4, v9  }
0x6e: {  	v5 =	vmul.f32 v4, v5;
	v10 =	vmul.f32 v4, v10;
	[tilespmem:s25+$0xFFFFFF70] =	vst v7;
	v7 =	vand.u32 $0x7D, v12  }
0x6f: {  	v3 =	vmul.f32 v4, v3;
	[tilespmem:s25+$0xFFFFFF00] =	vst v8;
	v8 =	vmul.f32 v4, v11;
	v4 =	vor.u32 v0, v7  }
0x70: {  	[tilespmem:s25+$0xFFFFFF20] =	vst v9;
	v4 =	vbroadcast v4, $0x0  }
0x71: {  	[tilespmem:s25+$0xFFFFFF30] =	vst v5  }
0x72: {  	[tilespmem:s25+$0xFFFFFF50] =	vst v3;
	v3 =	vld [tilespmem:s25+$0xFFFFFFD0]  }
0x73: {  	[tilespmem:s25+$0xFFFFFF10] =	vst v10;
	v5 =	vld [tilespmem:s25+$0xFFFFFFE0]  }
0x74: {  	[tilespmem:s25+$0xFFFFFF60] =	vst v6;
	v6 =	vld [tilespmem:s25+$0xFFFFFFB0]  }
0x75: {  	[tilespmem:s25+$0xFFFFFF40] =	vst v8;
	v7 =	vld [tilespmem:s25+$0xFFFFFFF0]  }
0x76: {  	v4 =	vld.idx.msk [tilespmem:v4+s15+$0x0], $0xffff  }
0x77: {  	v8 =	vld [tilespmem:s25+$0xFFFFFF80]  }
0x78: {  	v9 =	vld [tilespmem:s25+$0xFFFFFFA0]  }
0x79: {  	v10 =	vld [tilespmem:s25+$0xFFFFFFC0]  }
0x7a: {  	v11 =	vld [tilespmem:s25+$0xFFFFFF90];
	_ =	sdelay $0x1  }
0x7b: {  	s26 =	sadd.s32 $0x2, s23;
	v7 =	vmul.f32 v4, v7;
	v8 =	vmul.f32 v4, v8  }
0x7c: {  	v12 =	vmov s26;
	v6 =	vmul.f32 v4, v6;
	v9 =	vmul.f32 v4, v9  }
0x7d: {  	v5 =	vmul.f32 v4, v5;
	[tilespmem:s25+$0xFFFFFF80] =	vst v8;
	v8 =	vmul.f32 v4, v10;
	v10 =	vand.u32 $0x7E, v12  }
0x7e: {  	v3 =	vmul.f32 v4, v3;
	v11 =	vmul.f32 v4, v11;
	[tilespmem:s25+$0xFFFFFFA0] =	vst v9;
	v4 =	vor.u32 v0, v10  }
0x7f: {  	[tilespmem:s25+$0xFFFFFFF0] =	vst v7;
	v4 =	vbroadcast v4, $0x0  }
0x80: {  	[tilespmem:s25+$0xFFFFFFC0] =	vst v8  }
0x81: {  	[tilespmem:s25+$0xFFFFFF90] =	vst v11  }
0x82: {  	[tilespmem:s25+$0xFFFFFFD0] =	vst v3  }
.Ltmp0:
0x83: {  	[tilespmem:s25+$0xFFFFFFB0] =	vst v6;
	v7 =	vld [tilespmem:s25+$0x30];
	(pc) =	sbr.rel @p0 .LBB2_3-.Ltmp0, $4  }
0x84: {  	[tilespmem:s25+$0xFFFFFFE0] =	vst v5;
	v6 =	vld [tilespmem:s25+$0x20]  }
0x85: {  	v3 =	vld.idx.msk [tilespmem:v4+s15+$0x0], $0xffff  }
0x86: {  	v5 =	vld [tilespmem:s25+$0x0]  }
0x87: {  	v4 =	vld [tilespmem:s25+$0x10]  }
0x88: {  	_ =	sdelay $0x1  }
0x89: {  	s23 =	sadd.s32 $0x3, s23;
	v7 =	vmul.f32 v3, v7  }
0x8a: {  	v8 =	vld [tilespmem:s22+$0x50];
	v10 =	vmov s23;
	v2 =	vmul.f32 v3, v2  }
0x8b: {  	v9 =	vld [tilespmem:s22+$0x40];
	v6 =	vmul.f32 v3, v6;
	v48 =	vand.u32 $0x7F, v10;
	[tilespmem:s22+$0x30] =	vst v7  }
0x8c: {  	v1 =	vmul.f32 v3, v1;
	v0 =	vor.u32 v0, v48;
	[tilespmem:s22+$0x70] =	vst v2  }
0x8d: {  	v52 =	vmul.f32 v3, v5;
	[tilespmem:s22+$0x20] =	vst v6;
	v0 =	vbroadcast v0, $0x0  }
0x8e: {  	[tilespmem:s22+$0x60] =	vst v1;
	v53 =	vmul.f32 v3, v4  }
0x8f: {  	v49 =	vmul.f32 v3, v8;
	[tilespmem:s22+$0x0] =	vst v52  }
0x90: {  	v51 =	vmul.f32 v3, v9;
	[tilespmem:s22+$0x10] =	vst v53  }
0x91: {  	[tilespmem:s22+$0x50] =	vst v49  }
0x92: {  	v50 =	vld [tilespmem:s22+$0x80];
	[tilespmem:s22+$0x40] =	vst v51  }
0x93: {  	v0 =	vld.idx.msk [tilespmem:v0+s15+$0x0], $0xffff  }
0x94: {  	v54 =	vld [tilespmem:s22+$0xB0]  }
0x95: {  	v55 =	vld [tilespmem:s22+$0xA0]  }
0x96: {  	v56 =	vld [tilespmem:s22+$0xD0]  }
0x97: {  	v57 =	vld [tilespmem:s22+$0xF0]  }
0x98: {  	v58 =	vld [tilespmem:s22+$0x90];
	v6 =	vmul.f32 v0, v50  }
0x99: {  	v59 =	vld [tilespmem:s22+$0xC0];
	v1 =	vmul.f32 v0, v54  }
0x9a: {  	v60 =	vld [tilespmem:s22+$0xE0];
	v2 =	vmul.f32 v0, v55;
	[tilespmem:s22+$0x80] =	vst v6  }
0x9b: {  	v3 =	vmul.f32 v0, v56;
	[tilespmem:s22+$0xB0] =	vst v1  }
0x9c: {  	v61 =	vmul.f32 v0, v57;
	[tilespmem:s22+$0xA0] =	vst v2  }
0x9d: {  	v62 =	vmul.f32 v0, v58;
	[tilespmem:s22+$0xD0] =	vst v3  }
0x9e: {  	v63 =	vmul.f32 v0, v59;
	[tilespmem:s22+$0xF0] =	vst v61  }
0x9f: {  	s20 =	sadd.s32 $0x1, s20;
	v0 =	vmul.f32 v0, v60;
	[tilespmem:s22+$0x90] =	vst v62  }
0xa0: {  	p0 =	sne.s32 s20, $0x4F;
	[tilespmem:s22+$0xC0] =	vst v63  }
.Ltmp1:
0xa1: {  	s21 =	sadd.s32 $0x2780, s21;
	[tilespmem:s22+$0xE0] =	vst v0;
	(pc) =	sbr.rel @p0 .LBB2_2-.Ltmp1, $4  }
0xa2: {  	[spmem:s3] =	stream.indirect.scatter.add.f32 [tilespmem:s17], [sflag:$0x2], $0x80, s21, s16, $0xb8;
	[tilespmem:$0x1F280] =	vst v63  }
0xa3: {  	_ =	swait.ge [sflag:s13], $0x4000  }
0xa4: {  	[sflag:s13] =	ssyncset.done $0x0  }
0xa5: {  	[sflag:s13] =	ssyncadd.s32 $0xFFFFC000  }
0xa6: {  	s19 =	sadd.s32 $0x1, s19  }
0xa7: {  	p0 =	sne.s32 s19, s11  }
.Ltmp2:
0xa8: {  	[bflag:$0x0] =	sbarrier.arrive $0xFFFF;
	(pc) =	sbr.rel @p0 .LBB2_1-.Ltmp2, $4  }
0xa9: {  	[hbm:s10], [sflag:s6] =	dma.local [spmem:s12], $0x2780  }
0xaa: {  	_ =	swait.ge [sflag:s13], $0x2780  }
0xab: {  	[sflag:s13] =	ssyncset.done $0x0  }
0xac: {  	[sflag:s13] =	ssyncadd.s32 $0xFFFFD880  }
0xad: {  	_ =	sfence.sel $0x180000  }
0xae: {  	[bflag:$0x0] =	sbarrier.arrive $0xFFFF  }
0xaf: {  	p0 =	sne.s32 s0, $0x0;
	_ =	strace $0x9000004A  }
0xb0: {  	s0 =	sadd.s32 @!p0 $0x100000, s1;
	[bflag:$0x2] =	sbarrier.arrive $0xFFFF  }
0xb1: {  	[sflag:s0] =	ssyncadd.tile.s32 @!p0 $0x1;
	_ =	shalt  }
.Lfunc_end2:
_tile_overlayer_lowered:
.L_overlay_start_2:
0xb2: {  	(tag) =	ssettag $0x2  }
0xb3: {  	s0 =	rddreg [dreg:$0x0];
	s2 =	stileid.u32  }
0xb4: {  	s1 =	rddreg [dreg:$0x1];
	p0 =	sne.s32 s2, $0x0  }
0xb5: {  	s3 =	rddreg [dreg:$0x2];
	[bflag:$0x3] =	sbarrier.arrive $0xFFFF;
	s2 =	simm.s32 @!p0 $0x1C02  }
0xb6: {  	[timem:s3], [sflag:s2] =	dma.local @!p0 [hbm:s0], s1  }
0xb7: {  	s0 =	simm.s32 @!p0 $0x2  }
0xb8: {  	_ =	swait.ge @!p0 [sflag:s0], s1  }
0xb9: {  	s1 =	ssub.s32 @!p0 $0x0, s1;
	[sflag:s0] =	ssyncset.done @!p0 $0x0  }
0xba: {  	[sflag:s0] =	ssyncadd.s32 @!p0 s1  }
0xbb: {  	[bflag:$0x3] =	sbarrier.arrive $0xFFFF  }
0xbc: {  	_ =	shalt  }

</sc_bundles>
